<compile_context>
chip_gen: v7x
topology: tpu7x:2x2x1
jax: 0.10.2.dev20260603
libtpu: 0.0.44.dev20260713+nightly
codegen_flags: <defaults>
</compile_context>

<pallas_src>
import functools
import jax
import jax.numpy as jnp
from jax import lax
from jax.experimental import pallas as pl
from jax.experimental.pallas import tpu as pltpu
from jax.experimental.pallas import tpu_sc as plsc

_N = 2048
_H = 8
_ROW_W = _N * _H
_NW = 32
_ROWS_W = _N // _NW
_VECS = _N // 16

_mesh = plsc.VectorSubcoreMesh(core_axis_name="c", subcore_axis_name="s")


@functools.partial(
    pl.kernel,
    out_type=jax.ShapeDtypeStruct((_N, _ROW_W), jnp.float32),
    mesh=_mesh,
    compiler_params=pltpu.CompilerParams(
        use_tc_tiling_on_sc=False, needs_layout_passes=False
    ),
    scratch_types=[
        pltpu.VMEM((10 * _H * 16,), jnp.float32),
        pltpu.VMEM((16, 128), jnp.int32),
        pltpu.VMEM((16, 128), jnp.int32),
        pltpu.VMEM((16, 128), jnp.int32),
        pltpu.VMEM((16, 128), jnp.int32),
        pltpu.VMEM((_ROW_W,), jnp.float32),
        pltpu.VMEM((_ROW_W,), jnp.float32),
        pltpu.VMEM((_ROW_W,), jnp.float32),
        pltpu.VMEM((_ROW_W,), jnp.float32),
        pltpu.SemaphoreType.DMA,
        pltpu.SemaphoreType.DMA,
        pltpu.SemaphoreType.DMA,
        pltpu.SemaphoreType.DMA,
        pltpu.SemaphoreType.DMA,
        pltpu.SemaphoreType.DMA,
        pltpu.SemaphoreType.DMA,
        pltpu.SemaphoreType.DMA,
    ],
)
def _sc_lookup(d_hbm, w_hbm, out_hbm, w_v, idx0, idx1, idx2, idx3,
               rows0, rows1, rows2, rows3,
               isem0, isem1, isem2, isem3, osem0, osem1, osem2, osem3):
    wid = lax.axis_index("s") * 2 + lax.axis_index("c")
    row0 = wid * _ROWS_W

    pltpu.sync_copy(w_hbm, w_v)

    idx_bufs = (idx0, idx1, idx2, idx3)
    row_bufs = (rows0, rows1, rows2, rows3)
    isems = (isem0, isem1, isem2, isem3)
    osems = (osem0, osem1, osem2, osem3)
    nbuf = 4

    lane = lax.iota(jnp.int32, 16)
    hvecs = [h * 16 + lane for h in range(_H)]

    def idx_copy(c, b):
        r = row0 + c
        return pltpu.make_async_copy(
            d_hbm.at[r >> 3, :, r & 7, :], idx_bufs[b], isems[b]
        )

    def out_copy(c, b):
        return pltpu.make_async_copy(
            row_bufs[b], out_hbm.at[row0 + c], osems[b]
        )

    for b in range(nbuf):
        idx_copy(b, b).start()

    def chunk_body(g, carry):
        for b in range(nbuf):
            c = g * nbuf + b
            idx_copy(c, b).wait()

            @pl.when(g >= 1)
            def _wait_prev():
                out_copy(c - nbuf, b).wait()

            idx_ref = idx_bufs[b]
            rows_ref = row_bufs[b]

            @plsc.parallel_loop(0, _VECS, unroll=2)
            def _vec_loop(i):
                a = idx_ref[i >> 3, pl.ds((i & 7) * 16, 16)] * 128
                base = (i >> 3) * 1024 + (i & 7) * 16
                gs = [plsc.load_gather(w_v, [a + hvecs[h]]) for h in range(_H)]
                for h in range(_H):
                    rows_ref[pl.ds(base + h * 128, 16)] = gs[h]

            out_copy(c, b).start()

            @pl.when(g < _ROWS_W // nbuf - 1)
            def _prefetch():
                idx_copy(c + nbuf, b).start()

        return carry

    lax.fori_loop(0, _ROWS_W // nbuf, chunk_body, 0)

    for b in range(nbuf):
        out_copy(_ROWS_W - nbuf + b, b).wait()


def kernel(dist_matrix, dist_bias_weight):
    d = (
        dist_matrix.astype(jnp.int32)
        .reshape(_N // 8, 8, _N // 128, 128)
        .transpose(0, 2, 1, 3)
    )
    w = jnp.repeat(dist_bias_weight.reshape(10 * _H), 16)
    out = _sc_lookup(d, w)
    return (
        out.reshape(_N, _N // 128, _H, 128)
        .transpose(0, 1, 3, 2)
        .reshape(_N, _N, _H)
    )

# --- scband reference (transcript-rebuilt; emitter-appended) ---
"""Pipeline reference for scband-spatial-encoding-21492016349935 (READ-ONLY COPY).

The authoritative reference and input builder live on the scoring server;
editing this copy changes nothing except your own understanding.
"""

import jax, jax.numpy as jnp
import numpy as np

MAX_DIST = 8
N_HEADS = 8
N = 2048

def setup_inputs(seed: int = 0) -> dict:
    key = jax.random.key(seed)
    k1, k2 = jax.random.split(key)
    dist_matrix = jax.random.randint(k1, (N, N), 0, 10, dtype=jnp.int64)
    # nn.Embedding(max_dist + 2, n_heads) with weights zero-initialized per module init
    dist_bias_weight = jnp.zeros((MAX_DIST + 2, N_HEADS), dtype=jnp.float32)
    return {"dist_matrix": dist_matrix, "dist_bias_weight": dist_bias_weight}

def reference(dist_matrix, dist_bias_weight):
    # clamped = dist_matrix.clamp(0, max_dist + 1).long()
    clamped = jnp.clip(dist_matrix, 0, MAX_DIST + 1).astype(jnp.int32)
    # bias = self.dist_bias(clamped)  -> gather rows of the embedding table
    bias = jnp.take(dist_bias_weight, clamped, axis=0)
    return bias

if __name__ == "__main__":
    import jax
    _d = setup_inputs()
    print(jax.jit(kernel)(*tuple(_d.values())))

</pallas_src>

<mosaic_0001>
#map = affine_map<(d0, d1) -> (0, 0, 0, 0)>
#map1 = affine_map<(d0, d1) -> (0)>
#map2 = affine_map<(d0, d1) -> (0, 0)>
module attributes {stable_mosaic.version = 14 : i64} {
  func.func @_sc_lookup(%arg0: i32, %arg1: i32, %arg2: memref<256x16x8x128xi32, #tpu.memory_space<hbm>>, %arg3: memref<1280xf32, #tpu.memory_space<hbm>>, %arg4: memref<2048x16384xf32, #tpu.memory_space<hbm>>, %arg5: memref<1280xf32, #tpu.memory_space<vmem>>, %arg6: memref<16x128xi32, #tpu.memory_space<vmem>>, %arg7: memref<16x128xi32, #tpu.memory_space<vmem>>, %arg8: memref<16x128xi32, #tpu.memory_space<vmem>>, %arg9: memref<16x128xi32, #tpu.memory_space<vmem>>, %arg10: memref<16384xf32, #tpu.memory_space<vmem>>, %arg11: memref<16384xf32, #tpu.memory_space<vmem>>, %arg12: memref<16384xf32, #tpu.memory_space<vmem>>, %arg13: memref<16384xf32, #tpu.memory_space<vmem>>, %arg14: memref<!tpu.dma_semaphore, #tpu.memory_space<semaphore_mem>>, %arg15: memref<!tpu.dma_semaphore, #tpu.memory_space<semaphore_mem>>, %arg16: memref<!tpu.dma_semaphore, #tpu.memory_space<semaphore_mem>>, %arg17: memref<!tpu.dma_semaphore, #tpu.memory_space<semaphore_mem>>, %arg18: memref<!tpu.dma_semaphore, #tpu.memory_space<semaphore_mem>>, %arg19: memref<!tpu.dma_semaphore, #tpu.memory_space<semaphore_mem>>, %arg20: memref<!tpu.dma_semaphore, #tpu.memory_space<semaphore_mem>>, %arg21: memref<!tpu.dma_semaphore, #tpu.memory_space<semaphore_mem>>) attributes {dimension_semantics = [#tpu.dimension_semantics<core_parallel>, #tpu.dimension_semantics<subcore_parallel>], iteration_bounds = array<i64: 2, 16>, scalar_prefetch = 0 : i64, scratch_operands = 17 : i64, tpu.core_type = #tpu.core_type<sc_vector_subcore>, window_params = [{transform_indices = #map}, {transform_indices = #map1}, {transform_indices = #map2}]} {
    %mul3A = arith.constant 2 : i32
    %mul3A_0 = arith.muli %arg1, %mul3A : i32
    %add3A = arith.addi %mul3A_0, %arg0 : i32
    %mul3A_1 = arith.constant 64 : i32
    %mul3A_2 = arith.muli %add3A, %mul3A_1 : i32
    "tpu.region"() ({
      %run_scoped3A = tpu.sem_alloc : memref<!tpu.dma_semaphore, #tpu.memory_space<semaphore_mem>>
      tpu.enqueue_dma source(%arg3 : memref<1280xf32, #tpu.memory_space<hbm>>) target(%arg5 : memref<1280xf32, #tpu.memory_space<vmem>>) target_semaphore(%run_scoped3A : memref<!tpu.dma_semaphore, #tpu.memory_space<semaphore_mem>>)
      tpu.wait_dma2 semaphore(%run_scoped3A : memref<!tpu.dma_semaphore, #tpu.memory_space<semaphore_mem>>) src(%arg3 : memref<1280xf32, #tpu.memory_space<hbm>>) dst(%arg5 : memref<1280xf32, #tpu.memory_space<vmem>>)
      tpu.yield
    }) : () -> ()
    %iota3A = tpu.iota {dimensions = array<i32: 0>} : vector<16xi32>
    %add3A_3 = arith.constant 0 : i32
    %add3A_4 = vector.broadcast %add3A_3 : i32 to vector<16xi32>
    %add3A_5 = arith.addi %add3A_4, %iota3A : vector<16xi32>
    %add3A_6 = arith.constant 16 : i32
    %add3A_7 = vector.broadcast %add3A_6 : i32 to vector<16xi32>
    %add3A_8 = arith.addi %add3A_7, %iota3A : vector<16xi32>
    %add3A_9 = arith.constant 32 : i32
    %add3A_10 = vector.broadcast %add3A_9 : i32 to vector<16xi32>
    %add3A_11 = arith.addi %add3A_10, %iota3A : vector<16xi32>
    %add3A_12 = arith.constant 48 : i32
    %add3A_13 = vector.broadcast %add3A_12 : i32 to vector<16xi32>
    %add3A_14 = arith.addi %add3A_13, %iota3A : vector<16xi32>
    %add3A_15 = arith.constant 64 : i32
    %add3A_16 = vector.broadcast %add3A_15 : i32 to vector<16xi32>
    %add3A_17 = arith.addi %add3A_16, %iota3A : vector<16xi32>
    %add3A_18 = arith.constant 80 : i32
    %add3A_19 = vector.broadcast %add3A_18 : i32 to vector<16xi32>
    %add3A_20 = arith.addi %add3A_19, %iota3A : vector<16xi32>
    %add3A_21 = arith.constant 96 : i32
    %add3A_22 = vector.broadcast %add3A_21 : i32 to vector<16xi32>
    %add3A_23 = arith.addi %add3A_22, %iota3A : vector<16xi32>
    %add3A_24 = arith.constant 112 : i32
    %add3A_25 = vector.broadcast %add3A_24 : i32 to vector<16xi32>
    %add3A_26 = arith.addi %add3A_25, %iota3A : vector<16xi32>
    %add3A_27 = arith.constant 0 : i32
    %add3A_28 = arith.addi %mul3A_2, %add3A_27 : i32
    %shift_right_arithmetic3A = arith.constant 3 : i32
    %shift_right_arithmetic3A_29 = arith.shrsi %add3A_28, %shift_right_arithmetic3A : i32
    %and3A = arith.constant 7 : i32
    %and3A_30 = arith.andi %add3A_28, %and3A : i32
    %dma_start3A = arith.constant 0 : i32
    %dma_start3A_31 = arith.constant 0 : i32
    %dma_start3A_32 = tpu.memref_slice %arg2[%shift_right_arithmetic3A_29, %dma_start3A, %and3A_30, %dma_start3A_31] : memref<256x16x8x128xi32, #tpu.memory_space<hbm>> -> memref<1x16x1x128xi32, #tpu.memory_space<hbm>>
    %dma_start3A_33 = tpu.memref_squeeze %dma_start3A_32 : memref<1x16x1x128xi32, #tpu.memory_space<hbm>> -> memref<16x128xi32, #tpu.memory_space<hbm>>
    %dma_start3A_34 = arith.constant 0 : i32
    %dma_start3A_35 = arith.constant 0 : i32
    %dma_start3A_36 = tpu.memref_slice %arg2[%shift_right_arithmetic3A_29, %dma_start3A_34, %and3A_30, %dma_start3A_35] : memref<256x16x8x128xi32, #tpu.memory_space<hbm>> -> memref<1x16x1x128xi32, #tpu.memory_space<hbm>>
    %dma_start3A_37 = tpu.memref_squeeze %dma_start3A_36 : memref<1x16x1x128xi32, #tpu.memory_space<hbm>> -> memref<16x128xi32, #tpu.memory_space<hbm>>
    tpu.enqueue_dma source(%dma_start3A_37 : memref<16x128xi32, #tpu.memory_space<hbm>>) target(%arg6 : memref<16x128xi32, #tpu.memory_space<vmem>>) target_semaphore(%arg14 : memref<!tpu.dma_semaphore, #tpu.memory_space<semaphore_mem>>)
    %add3A_38 = arith.constant 1 : i32
    %add3A_39 = arith.addi %mul3A_2, %add3A_38 : i32
    %shift_right_arithmetic3A_40 = arith.constant 3 : i32
    %shift_right_arithmetic3A_41 = arith.shrsi %add3A_39, %shift_right_arithmetic3A_40 : i32
    %and3A_42 = arith.constant 7 : i32
    %and3A_43 = arith.andi %add3A_39, %and3A_42 : i32
    %dma_start3A_44 = arith.constant 0 : i32
    %dma_start3A_45 = arith.constant 0 : i32
    %dma_start3A_46 = tpu.memref_slice %arg2[%shift_right_arithmetic3A_41, %dma_start3A_44, %and3A_43, %dma_start3A_45] : memref<256x16x8x128xi32, #tpu.memory_space<hbm>> -> memref<1x16x1x128xi32, #tpu.memory_space<hbm>>
    %dma_start3A_47 = tpu.memref_squeeze %dma_start3A_46 : memref<1x16x1x128xi32, #tpu.memory_space<hbm>> -> memref<16x128xi32, #tpu.memory_space<hbm>>
    %dma_start3A_48 = arith.constant 0 : i32
    %dma_start3A_49 = arith.constant 0 : i32
    %dma_start3A_50 = tpu.memref_slice %arg2[%shift_right_arithmetic3A_41, %dma_start3A_48, %and3A_43, %dma_start3A_49] : memref<256x16x8x128xi32, #tpu.memory_space<hbm>> -> memref<1x16x1x128xi32, #tpu.memory_space<hbm>>
    %dma_start3A_51 = tpu.memref_squeeze %dma_start3A_50 : memref<1x16x1x128xi32, #tpu.memory_space<hbm>> -> memref<16x128xi32, #tpu.memory_space<hbm>>
    tpu.enqueue_dma source(%dma_start3A_51 : memref<16x128xi32, #tpu.memory_space<hbm>>) target(%arg7 : memref<16x128xi32, #tpu.memory_space<vmem>>) target_semaphore(%arg15 : memref<!tpu.dma_semaphore, #tpu.memory_space<semaphore_mem>>)
    %add3A_52 = arith.constant 2 : i32
    %add3A_53 = arith.addi %mul3A_2, %add3A_52 : i32
    %shift_right_arithmetic3A_54 = arith.constant 3 : i32
    %shift_right_arithmetic3A_55 = arith.shrsi %add3A_53, %shift_right_arithmetic3A_54 : i32
    %and3A_56 = arith.constant 7 : i32
    %and3A_57 = arith.andi %add3A_53, %and3A_56 : i32
    %dma_start3A_58 = arith.constant 0 : i32
    %dma_start3A_59 = arith.constant 0 : i32
    %dma_start3A_60 = tpu.memref_slice %arg2[%shift_right_arithmetic3A_55, %dma_start3A_58, %and3A_57, %dma_start3A_59] : memref<256x16x8x128xi32, #tpu.memory_space<hbm>> -> memref<1x16x1x128xi32, #tpu.memory_space<hbm>>
    %dma_start3A_61 = tpu.memref_squeeze %dma_start3A_60 : memref<1x16x1x128xi32, #tpu.memory_space<hbm>> -> memref<16x128xi32, #tpu.memory_space<hbm>>
    %dma_start3A_62 = arith.constant 0 : i32
    %dma_start3A_63 = arith.constant 0 : i32
    %dma_start3A_64 = tpu.memref_slice %arg2[%shift_right_arithmetic3A_55, %dma_start3A_62, %and3A_57, %dma_start3A_63] : memref<256x16x8x128xi32, #tpu.memory_space<hbm>> -> memref<1x16x1x128xi32, #tpu.memory_space<hbm>>
    %dma_start3A_65 = tpu.memref_squeeze %dma_start3A_64 : memref<1x16x1x128xi32, #tpu.memory_space<hbm>> -> memref<16x128xi32, #tpu.memory_space<hbm>>
    tpu.enqueue_dma source(%dma_start3A_65 : memref<16x128xi32, #tpu.memory_space<hbm>>) target(%arg8 : memref<16x128xi32, #tpu.memory_space<vmem>>) target_semaphore(%arg16 : memref<!tpu.dma_semaphore, #tpu.memory_space<semaphore_mem>>)
    %add3A_66 = arith.constant 3 : i32
    %add3A_67 = arith.addi %mul3A_2, %add3A_66 : i32
    %shift_right_arithmetic3A_68 = arith.constant 3 : i32
    %shift_right_arithmetic3A_69 = arith.shrsi %add3A_67, %shift_right_arithmetic3A_68 : i32
    %and3A_70 = arith.constant 7 : i32
    %and3A_71 = arith.andi %add3A_67, %and3A_70 : i32
    %dma_start3A_72 = arith.constant 0 : i32
    %dma_start3A_73 = arith.constant 0 : i32
    %dma_start3A_74 = tpu.memref_slice %arg2[%shift_right_arithmetic3A_69, %dma_start3A_72, %and3A_71, %dma_start3A_73] : memref<256x16x8x128xi32, #tpu.memory_space<hbm>> -> memref<1x16x1x128xi32, #tpu.memory_space<hbm>>
    %dma_start3A_75 = tpu.memref_squeeze %dma_start3A_74 : memref<1x16x1x128xi32, #tpu.memory_space<hbm>> -> memref<16x128xi32, #tpu.memory_space<hbm>>
    %dma_start3A_76 = arith.constant 0 : i32
    %dma_start3A_77 = arith.constant 0 : i32
    %dma_start3A_78 = tpu.memref_slice %arg2[%shift_right_arithmetic3A_69, %dma_start3A_76, %and3A_71, %dma_start3A_77] : memref<256x16x8x128xi32, #tpu.memory_space<hbm>> -> memref<1x16x1x128xi32, #tpu.memory_space<hbm>>
    %dma_start3A_79 = tpu.memref_squeeze %dma_start3A_78 : memref<1x16x1x128xi32, #tpu.memory_space<hbm>> -> memref<16x128xi32, #tpu.memory_space<hbm>>
    tpu.enqueue_dma source(%dma_start3A_79 : memref<16x128xi32, #tpu.memory_space<hbm>>) target(%arg9 : memref<16x128xi32, #tpu.memory_space<vmem>>) target_semaphore(%arg17 : memref<!tpu.dma_semaphore, #tpu.memory_space<semaphore_mem>>)
    %scan3A = arith.constant 0 : i32
    %scan3A_80 = arith.constant 0 : i32
    %scan3A_81 = arith.constant 16 : i32
    %scan3A_82 = arith.addi %scan3A_80, %scan3A_81 : i32
    %scan3A_83 = arith.constant 1 : i32
    scf.for %scan3A_116 = %scan3A_80 to %scan3A_82 step %scan3A_83  : i32 {
      %mul3A_117 = arith.constant 4 : i32
      %mul3A_118 = arith.muli %scan3A_116, %mul3A_117 : i32
      %add3A_119 = arith.constant 0 : i32
      %add3A_120 = arith.addi %mul3A_118, %add3A_119 : i32
      %add3A_121 = arith.addi %mul3A_2, %add3A_120 : i32
      %shift_right_arithmetic3A_122 = arith.constant 3 : i32
      %shift_right_arithmetic3A_123 = arith.shrsi %add3A_121, %shift_right_arithmetic3A_122 : i32
      %and3A_124 = arith.constant 7 : i32
      %and3A_125 = arith.andi %add3A_121, %and3A_124 : i32
      %dma_wait3A_126 = arith.constant 0 : i32
      %dma_wait3A_127 = arith.constant 0 : i32
      %dma_wait3A_128 = tpu.memref_slice %arg2[%shift_right_arithmetic3A_123, %dma_wait3A_126, %and3A_125, %dma_wait3A_127] : memref<256x16x8x128xi32, #tpu.memory_space<hbm>> -> memref<1x16x1x128xi32, #tpu.memory_space<hbm>>
      %dma_wait3A_129 = tpu.memref_squeeze %dma_wait3A_128 : memref<1x16x1x128xi32, #tpu.memory_space<hbm>> -> memref<16x128xi32, #tpu.memory_space<hbm>>
      %dma_wait3A_130 = arith.constant 0 : i32
      %dma_wait3A_131 = arith.constant 0 : i32
      %dma_wait3A_132 = tpu.memref_slice %arg2[%shift_right_arithmetic3A_123, %dma_wait3A_130, %and3A_125, %dma_wait3A_131] : memref<256x16x8x128xi32, #tpu.memory_space<hbm>> -> memref<1x16x1x128xi32, #tpu.memory_space<hbm>>
      %dma_wait3A_133 = tpu.memref_squeeze %dma_wait3A_132 : memref<1x16x1x128xi32, #tpu.memory_space<hbm>> -> memref<16x128xi32, #tpu.memory_space<hbm>>
      tpu.wait_dma2 semaphore(%arg14 : memref<!tpu.dma_semaphore, #tpu.memory_space<semaphore_mem>>) src(%dma_wait3A_133 : memref<16x128xi32, #tpu.memory_space<hbm>>) dst(%arg6 : memref<16x128xi32, #tpu.memory_space<vmem>>)
      %ge3A = arith.constant 1 : i32
      %ge3A_134 = arith.cmpi sge, %scan3A_116, %ge3A : i32
      %convert_element_type3A = arith.extui %ge3A_134 : i1 to i32
      %cond3A = arith.constant 0 : i32
      %cond3A_135 = arith.cmpi ne, %convert_element_type3A, %cond3A : i32
      scf.if %cond3A_135 {
        %sub3A = arith.constant 4 : i32
        %sub3A_260 = arith.subi %add3A_120, %sub3A : i32
        %add3A_261 = arith.addi %mul3A_2, %sub3A_260 : i32
        %dma_wait3A_262 = arith.constant 0 : i32
        %dma_wait3A_263 = tpu.memref_slice %arg4[%add3A_261, %dma_wait3A_262] : memref<2048x16384xf32, #tpu.memory_space<hbm>> -> memref<1x16384xf32, #tpu.memory_space<hbm>>
        %dma_wait3A_264 = tpu.memref_squeeze %dma_wait3A_263 : memref<1x16384xf32, #tpu.memory_space<hbm>> -> memref<16384xf32, #tpu.memory_space<hbm>>
        %dma_wait3A_265 = arith.constant 0 : i32
        %dma_wait3A_266 = tpu.memref_slice %arg4[%add3A_261, %dma_wait3A_265] : memref<2048x16384xf32, #tpu.memory_space<hbm>> -> memref<1x16384xf32, #tpu.memory_space<hbm>>
        %dma_wait3A_267 = tpu.memref_squeeze %dma_wait3A_266 : memref<1x16384xf32, #tpu.memory_space<hbm>> -> memref<16384xf32, #tpu.memory_space<hbm>>
        tpu.wait_dma2 semaphore(%arg18 : memref<!tpu.dma_semaphore, #tpu.memory_space<semaphore_mem>>) src(%arg10 : memref<16384xf32, #tpu.memory_space<vmem>>) dst(%dma_wait3A_267 : memref<16384xf32, #tpu.memory_space<hbm>>)
      } else {
      }
      %parallel_loop3A = arith.constant 0 : i32
      %parallel_loop3A_136 = arith.constant 128 : i32
      %parallel_loop3A_137 = arith.constant 1 : i32
      scf.for %parallel_loop3A_260 = %parallel_loop3A to %parallel_loop3A_136 step %parallel_loop3A_137  : i32 {
        %parallel_loop3A_261 = arith.constant 3 : i32
        %parallel_loop3A_262 = arith.shrsi %parallel_loop3A_260, %parallel_loop3A_261 : i32
        %parallel_loop3A_263 = arith.constant 7 : i32
        %parallel_loop3A_264 = arith.andi %parallel_loop3A_260, %parallel_loop3A_263 : i32
        %parallel_loop3A_265 = arith.constant 16 : i32
        %parallel_loop3A_266 = arith.muli %parallel_loop3A_264, %parallel_loop3A_265 : i32
        %parallel_loop3A_267 = arith.index_cast %parallel_loop3A_262 : i32 to index
        %parallel_loop3A_268 = arith.index_cast %parallel_loop3A_266 : i32 to index
        %parallel_loop3A_269 = tpu.vector_load %arg6[%parallel_loop3A_267, %parallel_loop3A_268] {strides = array<i32>} : memref<16x128xi32, #tpu.memory_space<vmem>>, vector<16xi32>,
        %parallel_loop3A_270 = arith.constant 128 : i32
        %parallel_loop3A_271 = vector.broadcast %parallel_loop3A_270 : i32 to vector<16xi32>
        %parallel_loop3A_272 = arith.muli %parallel_loop3A_269, %parallel_loop3A_271 : vector<16xi32>
        %parallel_loop3A_273 = arith.constant 3 : i32
        %parallel_loop3A_274 = arith.shrsi %parallel_loop3A_260, %parallel_loop3A_273 : i32
        %parallel_loop3A_275 = arith.constant 1024 : i32
        %parallel_loop3A_276 = arith.muli %parallel_loop3A_274, %parallel_loop3A_275 : i32
        %parallel_loop3A_277 = arith.constant 7 : i32
        %parallel_loop3A_278 = arith.andi %parallel_loop3A_260, %parallel_loop3A_277 : i32
        %parallel_loop3A_279 = arith.constant 16 : i32
        %parallel_loop3A_280 = arith.muli %parallel_loop3A_278, %parallel_loop3A_279 : i32
        %parallel_loop3A_281 = arith.addi %parallel_loop3A_276, %parallel_loop3A_280 : i32
        %parallel_loop3A_282 = arith.addi %parallel_loop3A_272, %add3A_5 : vector<16xi32>
        %parallel_loop3A_283 = tpu.vector_load_idx %arg5[%parallel_loop3A_282] : memref<1280xf32, #tpu.memory_space<vmem>>[vector<16xi32>], vector<16xf32>,
        %parallel_loop3A_284 = arith.addi %parallel_loop3A_272, %add3A_8 : vector<16xi32>
        %parallel_loop3A_285 = tpu.vector_load_idx %arg5[%parallel_loop3A_284] : memref<1280xf32, #tpu.memory_space<vmem>>[vector<16xi32>], vector<16xf32>,
        %parallel_loop3A_286 = arith.addi %parallel_loop3A_272, %add3A_11 : vector<16xi32>
        %parallel_loop3A_287 = tpu.vector_load_idx %arg5[%parallel_loop3A_286] : memref<1280xf32, #tpu.memory_space<vmem>>[vector<16xi32>], vector<16xf32>,
        %parallel_loop3A_288 = arith.addi %parallel_loop3A_272, %add3A_14 : vector<16xi32>
        %parallel_loop3A_289 = tpu.vector_load_idx %arg5[%parallel_loop3A_288] : memref<1280xf32, #tpu.memory_space<vmem>>[vector<16xi32>], vector<16xf32>,
        %parallel_loop3A_290 = arith.addi %parallel_loop3A_272, %add3A_17 : vector<16xi32>
        %parallel_loop3A_291 = tpu.vector_load_idx %arg5[%parallel_loop3A_290] : memref<1280xf32, #tpu.memory_space<vmem>>[vector<16xi32>], vector<16xf32>,
        %parallel_loop3A_292 = arith.addi %parallel_loop3A_272, %add3A_20 : vector<16xi32>
        %parallel_loop3A_293 = tpu.vector_load_idx %arg5[%parallel_loop3A_292] : memref<1280xf32, #tpu.memory_space<vmem>>[vector<16xi32>], vector<16xf32>,
        %parallel_loop3A_294 = arith.addi %parallel_loop3A_272, %add3A_23 : vector<16xi32>
        %parallel_loop3A_295 = tpu.vector_load_idx %arg5[%parallel_loop3A_294] : memref<1280xf32, #tpu.memory_space<vmem>>[vector<16xi32>], vector<16xf32>,
        %parallel_loop3A_296 = arith.addi %parallel_loop3A_272, %add3A_26 : vector<16xi32>
        %parallel_loop3A_297 = tpu.vector_load_idx %arg5[%parallel_loop3A_296] : memref<1280xf32, #tpu.memory_space<vmem>>[vector<16xi32>], vector<16xf32>,
        %parallel_loop3A_298 = arith.constant 0 : i32
        %parallel_loop3A_299 = arith.addi %parallel_loop3A_281, %parallel_loop3A_298 : i32
        %parallel_loop3A_300 = arith.index_cast %parallel_loop3A_299 : i32 to index
        %parallel_loop3A_301 = tpu.vector_load %arg10[%parallel_loop3A_300] {strides = array<i32>} : memref<16384xf32, #tpu.memory_space<vmem>>, vector<16xf32>,
        tpu.vector_store %arg10[%parallel_loop3A_300], %parallel_loop3A_283 {strides = array<i32>} : memref<16384xf32, #tpu.memory_space<vmem>>, vector<16xf32>,
        %parallel_loop3A_302 = arith.constant 128 : i32
        %parallel_loop3A_303 = arith.addi %parallel_loop3A_281, %parallel_loop3A_302 : i32
        %parallel_loop3A_304 = arith.index_cast %parallel_loop3A_303 : i32 to index
        %parallel_loop3A_305 = tpu.vector_load %arg10[%parallel_loop3A_304] {strides = array<i32>} : memref<16384xf32, #tpu.memory_space<vmem>>, vector<16xf32>,
        tpu.vector_store %arg10[%parallel_loop3A_304], %parallel_loop3A_285 {strides = array<i32>} : memref<16384xf32, #tpu.memory_space<vmem>>, vector<16xf32>,
        %parallel_loop3A_306 = arith.constant 256 : i32
        %parallel_loop3A_307 = arith.addi %parallel_loop3A_281, %parallel_loop3A_306 : i32
        %parallel_loop3A_308 = arith.index_cast %parallel_loop3A_307 : i32 to index
        %parallel_loop3A_309 = tpu.vector_load %arg10[%parallel_loop3A_308] {strides = array<i32>} : memref<16384xf32, #tpu.memory_space<vmem>>, vector<16xf32>,
        tpu.vector_store %arg10[%parallel_loop3A_308], %parallel_loop3A_287 {strides = array<i32>} : memref<16384xf32, #tpu.memory_space<vmem>>, vector<16xf32>,
        %parallel_loop3A_310 = arith.constant 384 : i32
        %parallel_loop3A_311 = arith.addi %parallel_loop3A_281, %parallel_loop3A_310 : i32
        %parallel_loop3A_312 = arith.index_cast %parallel_loop3A_311 : i32 to index
        %parallel_loop3A_313 = tpu.vector_load %arg10[%parallel_loop3A_312] {strides = array<i32>} : memref<16384xf32, #tpu.memory_space<vmem>>, vector<16xf32>,
        tpu.vector_store %arg10[%parallel_loop3A_312], %parallel_loop3A_289 {strides = array<i32>} : memref<16384xf32, #tpu.memory_space<vmem>>, vector<16xf32>,
        %parallel_loop3A_314 = arith.constant 512 : i32
        %parallel_loop3A_315 = arith.addi %parallel_loop3A_281, %parallel_loop3A_314 : i32
        %parallel_loop3A_316 = arith.index_cast %parallel_loop3A_315 : i32 to index
        %parallel_loop3A_317 = tpu.vector_load %arg10[%parallel_loop3A_316] {strides = array<i32>} : memref<16384xf32, #tpu.memory_space<vmem>>, vector<16xf32>,
        tpu.vector_store %arg10[%parallel_loop3A_316], %parallel_loop3A_291 {strides = array<i32>} : memref<16384xf32, #tpu.memory_space<vmem>>, vector<16xf32>,
        %parallel_loop3A_318 = arith.constant 640 : i32
        %parallel_loop3A_319 = arith.addi %parallel_loop3A_281, %parallel_loop3A_318 : i32
        %parallel_loop3A_320 = arith.index_cast %parallel_loop3A_319 : i32 to index
        %parallel_loop3A_321 = tpu.vector_load %arg10[%parallel_loop3A_320] {strides = array<i32>} : memref<16384xf32, #tpu.memory_space<vmem>>, vector<16xf32>,
        tpu.vector_store %arg10[%parallel_loop3A_320], %parallel_loop3A_293 {strides = array<i32>} : memref<16384xf32, #tpu.memory_space<vmem>>, vector<16xf32>,
        %parallel_loop3A_322 = arith.constant 768 : i32
        %parallel_loop3A_323 = arith.addi %parallel_loop3A_281, %parallel_loop3A_322 : i32
        %parallel_loop3A_324 = arith.index_cast %parallel_loop3A_323 : i32 to index
        %parallel_loop3A_325 = tpu.vector_load %arg10[%parallel_loop3A_324] {strides = array<i32>} : memref<16384xf32, #tpu.memory_space<vmem>>, vector<16xf32>,
        tpu.vector_store %arg10[%parallel_loop3A_324], %parallel_loop3A_295 {strides = array<i32>} : memref<16384xf32, #tpu.memory_space<vmem>>, vector<16xf32>,
        %parallel_loop3A_326 = arith.constant 896 : i32
        %parallel_loop3A_327 = arith.addi %parallel_loop3A_281, %parallel_loop3A_326 : i32
        %parallel_loop3A_328 = arith.index_cast %parallel_loop3A_327 : i32 to index
        %parallel_loop3A_329 = tpu.vector_load %arg10[%parallel_loop3A_328] {strides = array<i32>} : memref<16384xf32, #tpu.memory_space<vmem>>, vector<16xf32>,
        tpu.vector_store %arg10[%parallel_loop3A_328], %parallel_loop3A_297 {strides = array<i32>} : memref<16384xf32, #tpu.memory_space<vmem>>, vector<16xf32>,
      } {sc.loop_unroll_factor = 2 : i64, sc.parallel_access}
      %add3A_138 = arith.addi %mul3A_2, %add3A_120 : i32
      %dma_start3A_139 = arith.constant 0 : i32
      %dma_start3A_140 = tpu.memref_slice %arg4[%add3A_138, %dma_start3A_139] : memref<2048x16384xf32, #tpu.memory_space<hbm>> -> memref<1x16384xf32, #tpu.memory_space<hbm>>
      %dma_start3A_141 = tpu.memref_squeeze %dma_start3A_140 : memref<1x16384xf32, #tpu.memory_space<hbm>> -> memref<16384xf32, #tpu.memory_space<hbm>>
      %dma_start3A_142 = arith.constant 0 : i32
      %dma_start3A_143 = tpu.memref_slice %arg4[%add3A_138, %dma_start3A_142] : memref<2048x16384xf32, #tpu.memory_space<hbm>> -> memref<1x16384xf32, #tpu.memory_space<hbm>>
      %dma_start3A_144 = tpu.memref_squeeze %dma_start3A_143 : memref<1x16384xf32, #tpu.memory_space<hbm>> -> memref<16384xf32, #tpu.memory_space<hbm>>
      tpu.enqueue_dma source(%arg10 : memref<16384xf32, #tpu.memory_space<vmem>>) target(%dma_start3A_144 : memref<16384xf32, #tpu.memory_space<hbm>>) target_semaphore(%arg18 : memref<!tpu.dma_semaphore, #tpu.memory_space<semaphore_mem>>)
      %lt3A = arith.constant 15 : i32
      %lt3A_145 = arith.cmpi slt, %scan3A_116, %lt3A : i32
      %convert_element_type3A_146 = arith.extui %lt3A_145 : i1 to i32
      %cond3A_147 = arith.constant 0 : i32
      %cond3A_148 = arith.cmpi ne, %convert_element_type3A_146, %cond3A_147 : i32
      scf.if %cond3A_148 {
        %add3A_260 = arith.constant 4 : i32
        %add3A_261 = arith.addi %add3A_120, %add3A_260 : i32
        %add3A_262 = arith.addi %mul3A_2, %add3A_261 : i32
        %shift_right_arithmetic3A_263 = arith.constant 3 : i32
        %shift_right_arithmetic3A_264 = arith.shrsi %add3A_262, %shift_right_arithmetic3A_263 : i32
        %and3A_265 = arith.constant 7 : i32
        %and3A_266 = arith.andi %add3A_262, %and3A_265 : i32
        %dma_start3A_267 = arith.constant 0 : i32
        %dma_start3A_268 = arith.constant 0 : i32
        %dma_start3A_269 = tpu.memref_slice %arg2[%shift_right_arithmetic3A_264, %dma_start3A_267, %and3A_266, %dma_start3A_268] : memref<256x16x8x128xi32, #tpu.memory_space<hbm>> -> memref<1x16x1x128xi32, #tpu.memory_space<hbm>>
        %dma_start3A_270 = tpu.memref_squeeze %dma_start3A_269 : memref<1x16x1x128xi32, #tpu.memory_space<hbm>> -> memref<16x128xi32, #tpu.memory_space<hbm>>
        %dma_start3A_271 = arith.constant 0 : i32
        %dma_start3A_272 = arith.constant 0 : i32
        %dma_start3A_273 = tpu.memref_slice %arg2[%shift_right_arithmetic3A_264, %dma_start3A_271, %and3A_266, %dma_start3A_272] : memref<256x16x8x128xi32, #tpu.memory_space<hbm>> -> memref<1x16x1x128xi32, #tpu.memory_space<hbm>>
        %dma_start3A_274 = tpu.memref_squeeze %dma_start3A_273 : memref<1x16x1x128xi32, #tpu.memory_space<hbm>> -> memref<16x128xi32, #tpu.memory_space<hbm>>
        tpu.enqueue_dma source(%dma_start3A_274 : memref<16x128xi32, #tpu.memory_space<hbm>>) target(%arg6 : memref<16x128xi32, #tpu.memory_space<vmem>>) target_semaphore(%arg14 : memref<!tpu.dma_semaphore, #tpu.memory_space<semaphore_mem>>)
      } else {
      }
      %mul3A_149 = arith.constant 4 : i32
      %mul3A_150 = arith.muli %scan3A_116, %mul3A_149 : i32
      %add3A_151 = arith.constant 1 : i32
      %add3A_152 = arith.addi %mul3A_150, %add3A_151 : i32
      %add3A_153 = arith.addi %mul3A_2, %add3A_152 : i32
      %shift_right_arithmetic3A_154 = arith.constant 3 : i32
      %shift_right_arithmetic3A_155 = arith.shrsi %add3A_153, %shift_right_arithmetic3A_154 : i32
      %and3A_156 = arith.constant 7 : i32
      %and3A_157 = arith.andi %add3A_153, %and3A_156 : i32
      %dma_wait3A_158 = arith.constant 0 : i32
      %dma_wait3A_159 = arith.constant 0 : i32
      %dma_wait3A_160 = tpu.memref_slice %arg2[%shift_right_arithmetic3A_155, %dma_wait3A_158, %and3A_157, %dma_wait3A_159] : memref<256x16x8x128xi32, #tpu.memory_space<hbm>> -> memref<1x16x1x128xi32, #tpu.memory_space<hbm>>
      %dma_wait3A_161 = tpu.memref_squeeze %dma_wait3A_160 : memref<1x16x1x128xi32, #tpu.memory_space<hbm>> -> memref<16x128xi32, #tpu.memory_space<hbm>>
      %dma_wait3A_162 = arith.constant 0 : i32
      %dma_wait3A_163 = arith.constant 0 : i32
      %dma_wait3A_164 = tpu.memref_slice %arg2[%shift_right_arithmetic3A_155, %dma_wait3A_162, %and3A_157, %dma_wait3A_163] : memref<256x16x8x128xi32, #tpu.memory_space<hbm>> -> memref<1x16x1x128xi32, #tpu.memory_space<hbm>>
      %dma_wait3A_165 = tpu.memref_squeeze %dma_wait3A_164 : memref<1x16x1x128xi32, #tpu.memory_space<hbm>> -> memref<16x128xi32, #tpu.memory_space<hbm>>
      tpu.wait_dma2 semaphore(%arg15 : memref<!tpu.dma_semaphore, #tpu.memory_space<semaphore_mem>>) src(%dma_wait3A_165 : memref<16x128xi32, #tpu.memory_space<hbm>>) dst(%arg7 : memref<16x128xi32, #tpu.memory_space<vmem>>)
      %ge3A_166 = arith.constant 1 : i32
      %ge3A_167 = arith.cmpi sge, %scan3A_116, %ge3A_166 : i32
      %convert_element_type3A_168 = arith.extui %ge3A_167 : i1 to i32
      %cond3A_169 = arith.constant 0 : i32
      %cond3A_170 = arith.cmpi ne, %convert_element_type3A_168, %cond3A_169 : i32
      scf.if %cond3A_170 {
        %sub3A = arith.constant 4 : i32
        %sub3A_260 = arith.subi %add3A_152, %sub3A : i32
        %add3A_261 = arith.addi %mul3A_2, %sub3A_260 : i32
        %dma_wait3A_262 = arith.constant 0 : i32
        %dma_wait3A_263 = tpu.memref_slice %arg4[%add3A_261, %dma_wait3A_262] : memref<2048x16384xf32, #tpu.memory_space<hbm>> -> memref<1x16384xf32, #tpu.memory_space<hbm>>
        %dma_wait3A_264 = tpu.memref_squeeze %dma_wait3A_263 : memref<1x16384xf32, #tpu.memory_space<hbm>> -> memref<16384xf32, #tpu.memory_space<hbm>>
        %dma_wait3A_265 = arith.constant 0 : i32
        %dma_wait3A_266 = tpu.memref_slice %arg4[%add3A_261, %dma_wait3A_265] : memref<2048x16384xf32, #tpu.memory_space<hbm>> -> memref<1x16384xf32, #tpu.memory_space<hbm>>
        %dma_wait3A_267 = tpu.memref_squeeze %dma_wait3A_266 : memref<1x16384xf32, #tpu.memory_space<hbm>> -> memref<16384xf32, #tpu.memory_space<hbm>>
        tpu.wait_dma2 semaphore(%arg19 : memref<!tpu.dma_semaphore, #tpu.memory_space<semaphore_mem>>) src(%arg11 : memref<16384xf32, #tpu.memory_space<vmem>>) dst(%dma_wait3A_267 : memref<16384xf32, #tpu.memory_space<hbm>>)
      } else {
      }
      %parallel_loop3A_171 = arith.constant 0 : i32
      %parallel_loop3A_172 = arith.constant 128 : i32
      %parallel_loop3A_173 = arith.constant 1 : i32
      scf.for %parallel_loop3A_260 = %parallel_loop3A_171 to %parallel_loop3A_172 step %parallel_loop3A_173  : i32 {
        %parallel_loop3A_261 = arith.constant 3 : i32
        %parallel_loop3A_262 = arith.shrsi %parallel_loop3A_260, %parallel_loop3A_261 : i32
        %parallel_loop3A_263 = arith.constant 7 : i32
        %parallel_loop3A_264 = arith.andi %parallel_loop3A_260, %parallel_loop3A_263 : i32
        %parallel_loop3A_265 = arith.constant 16 : i32
        %parallel_loop3A_266 = arith.muli %parallel_loop3A_264, %parallel_loop3A_265 : i32
        %parallel_loop3A_267 = arith.index_cast %parallel_loop3A_262 : i32 to index
        %parallel_loop3A_268 = arith.index_cast %parallel_loop3A_266 : i32 to index
        %parallel_loop3A_269 = tpu.vector_load %arg7[%parallel_loop3A_267, %parallel_loop3A_268] {strides = array<i32>} : memref<16x128xi32, #tpu.memory_space<vmem>>, vector<16xi32>,
        %parallel_loop3A_270 = arith.constant 128 : i32
        %parallel_loop3A_271 = vector.broadcast %parallel_loop3A_270 : i32 to vector<16xi32>
        %parallel_loop3A_272 = arith.muli %parallel_loop3A_269, %parallel_loop3A_271 : vector<16xi32>
        %parallel_loop3A_273 = arith.constant 3 : i32
        %parallel_loop3A_274 = arith.shrsi %parallel_loop3A_260, %parallel_loop3A_273 : i32
        %parallel_loop3A_275 = arith.constant 1024 : i32
        %parallel_loop3A_276 = arith.muli %parallel_loop3A_274, %parallel_loop3A_275 : i32
        %parallel_loop3A_277 = arith.constant 7 : i32
        %parallel_loop3A_278 = arith.andi %parallel_loop3A_260, %parallel_loop3A_277 : i32
        %parallel_loop3A_279 = arith.constant 16 : i32
        %parallel_loop3A_280 = arith.muli %parallel_loop3A_278, %parallel_loop3A_279 : i32
        %parallel_loop3A_281 = arith.addi %parallel_loop3A_276, %parallel_loop3A_280 : i32
        %parallel_loop3A_282 = arith.addi %parallel_loop3A_272, %add3A_5 : vector<16xi32>
        %parallel_loop3A_283 = tpu.vector_load_idx %arg5[%parallel_loop3A_282] : memref<1280xf32, #tpu.memory_space<vmem>>[vector<16xi32>], vector<16xf32>,
        %parallel_loop3A_284 = arith.addi %parallel_loop3A_272, %add3A_8 : vector<16xi32>
        %parallel_loop3A_285 = tpu.vector_load_idx %arg5[%parallel_loop3A_284] : memref<1280xf32, #tpu.memory_space<vmem>>[vector<16xi32>], vector<16xf32>,
        %parallel_loop3A_286 = arith.addi %parallel_loop3A_272, %add3A_11 : vector<16xi32>
        %parallel_loop3A_287 = tpu.vector_load_idx %arg5[%parallel_loop3A_286] : memref<1280xf32, #tpu.memory_space<vmem>>[vector<16xi32>], vector<16xf32>,
        %parallel_loop3A_288 = arith.addi %parallel_loop3A_272, %add3A_14 : vector<16xi32>
        %parallel_loop3A_289 = tpu.vector_load_idx %arg5[%parallel_loop3A_288] : memref<1280xf32, #tpu.memory_space<vmem>>[vector<16xi32>], vector<16xf32>,
        %parallel_loop3A_290 = arith.addi %parallel_loop3A_272, %add3A_17 : vector<16xi32>
        %parallel_loop3A_291 = tpu.vector_load_idx %arg5[%parallel_loop3A_290] : memref<1280xf32, #tpu.memory_space<vmem>>[vector<16xi32>], vector<16xf32>,
        %parallel_loop3A_292 = arith.addi %parallel_loop3A_272, %add3A_20 : vector<16xi32>
        %parallel_loop3A_293 = tpu.vector_load_idx %arg5[%parallel_loop3A_292] : memref<1280xf32, #tpu.memory_space<vmem>>[vector<16xi32>], vector<16xf32>,
        %parallel_loop3A_294 = arith.addi %parallel_loop3A_272, %add3A_23 : vector<16xi32>
        %parallel_loop3A_295 = tpu.vector_load_idx %arg5[%parallel_loop3A_294] : memref<1280xf32, #tpu.memory_space<vmem>>[vector<16xi32>], vector<16xf32>,
        %parallel_loop3A_296 = arith.addi %parallel_loop3A_272, %add3A_26 : vector<16xi32>
        %parallel_loop3A_297 = tpu.vector_load_idx %arg5[%parallel_loop3A_296] : memref<1280xf32, #tpu.memory_space<vmem>>[vector<16xi32>], vector<16xf32>,
        %parallel_loop3A_298 = arith.constant 0 : i32
        %parallel_loop3A_299 = arith.addi %parallel_loop3A_281, %parallel_loop3A_298 : i32
        %parallel_loop3A_300 = arith.index_cast %parallel_loop3A_299 : i32 to index
        %parallel_loop3A_301 = tpu.vector_load %arg11[%parallel_loop3A_300] {strides = array<i32>} : memref<16384xf32, #tpu.memory_space<vmem>>, vector<16xf32>,
        tpu.vector_store %arg11[%parallel_loop3A_300], %parallel_loop3A_283 {strides = array<i32>} : memref<16384xf32, #tpu.memory_space<vmem>>, vector<16xf32>,
        %parallel_loop3A_302 = arith.constant 128 : i32
        %parallel_loop3A_303 = arith.addi %parallel_loop3A_281, %parallel_loop3A_302 : i32
        %parallel_loop3A_304 = arith.index_cast %parallel_loop3A_303 : i32 to index
        %parallel_loop3A_305 = tpu.vector_load %arg11[%parallel_loop3A_304] {strides = array<i32>} : memref<16384xf32, #tpu.memory_space<vmem>>, vector<16xf32>,
        tpu.vector_store %arg11[%parallel_loop3A_304], %parallel_loop3A_285 {strides = array<i32>} : memref<16384xf32, #tpu.memory_space<vmem>>, vector<16xf32>,
        %parallel_loop3A_306 = arith.constant 256 : i32
        %parallel_loop3A_307 = arith.addi %parallel_loop3A_281, %parallel_loop3A_306 : i32
        %parallel_loop3A_308 = arith.index_cast %parallel_loop3A_307 : i32 to index
        %parallel_loop3A_309 = tpu.vector_load %arg11[%parallel_loop3A_308] {strides = array<i32>} : memref<16384xf32, #tpu.memory_space<vmem>>, vector<16xf32>,
        tpu.vector_store %arg11[%parallel_loop3A_308], %parallel_loop3A_287 {strides = array<i32>} : memref<16384xf32, #tpu.memory_space<vmem>>, vector<16xf32>,
        %parallel_loop3A_310 = arith.constant 384 : i32
        %parallel_loop3A_311 = arith.addi %parallel_loop3A_281, %parallel_loop3A_310 : i32
        %parallel_loop3A_312 = arith.index_cast %parallel_loop3A_311 : i32 to index
        %parallel_loop3A_313 = tpu.vector_load %arg11[%parallel_loop3A_312] {strides = array<i32>} : memref<16384xf32, #tpu.memory_space<vmem>>, vector<16xf32>,
        tpu.vector_store %arg11[%parallel_loop3A_312], %parallel_loop3A_289 {strides = array<i32>} : memref<16384xf32, #tpu.memory_space<vmem>>, vector<16xf32>,
        %parallel_loop3A_314 = arith.constant 512 : i32
        %parallel_loop3A_315 = arith.addi %parallel_loop3A_281, %parallel_loop3A_314 : i32
        %parallel_loop3A_316 = arith.index_cast %parallel_loop3A_315 : i32 to index
        %parallel_loop3A_317 = tpu.vector_load %arg11[%parallel_loop3A_316] {strides = array<i32>} : memref<16384xf32, #tpu.memory_space<vmem>>, vector<16xf32>,
        tpu.vector_store %arg11[%parallel_loop3A_316], %parallel_loop3A_291 {strides = array<i32>} : memref<16384xf32, #tpu.memory_space<vmem>>, vector<16xf32>,
        %parallel_loop3A_318 = arith.constant 640 : i32
        %parallel_loop3A_319 = arith.addi %parallel_loop3A_281, %parallel_loop3A_318 : i32
        %parallel_loop3A_320 = arith.index_cast %parallel_loop3A_319 : i32 to index
        %parallel_loop3A_321 = tpu.vector_load %arg11[%parallel_loop3A_320] {strides = array<i32>} : memref<16384xf32, #tpu.memory_space<vmem>>, vector<16xf32>,
        tpu.vector_store %arg11[%parallel_loop3A_320], %parallel_loop3A_293 {strides = array<i32>} : memref<16384xf32, #tpu.memory_space<vmem>>, vector<16xf32>,
        %parallel_loop3A_322 = arith.constant 768 : i32
        %parallel_loop3A_323 = arith.addi %parallel_loop3A_281, %parallel_loop3A_322 : i32
        %parallel_loop3A_324 = arith.index_cast %parallel_loop3A_323 : i32 to index
        %parallel_loop3A_325 = tpu.vector_load %arg11[%parallel_loop3A_324] {strides = array<i32>} : memref<16384xf32, #tpu.memory_space<vmem>>, vector<16xf32>,
        tpu.vector_store %arg11[%parallel_loop3A_324], %parallel_loop3A_295 {strides = array<i32>} : memref<16384xf32, #tpu.memory_space<vmem>>, vector<16xf32>,
        %parallel_loop3A_326 = arith.constant 896 : i32
        %parallel_loop3A_327 = arith.addi %parallel_loop3A_281, %parallel_loop3A_326 : i32
        %parallel_loop3A_328 = arith.index_cast %parallel_loop3A_327 : i32 to index
        %parallel_loop3A_329 = tpu.vector_load %arg11[%parallel_loop3A_328] {strides = array<i32>} : memref<16384xf32, #tpu.memory_space<vmem>>, vector<16xf32>,
        tpu.vector_store %arg11[%parallel_loop3A_328], %parallel_loop3A_297 {strides = array<i32>} : memref<16384xf32, #tpu.memory_space<vmem>>, vector<16xf32>,
      } {sc.loop_unroll_factor = 2 : i64, sc.parallel_access}
      %add3A_174 = arith.addi %mul3A_2, %add3A_152 : i32
      %dma_start3A_175 = arith.constant 0 : i32
      %dma_start3A_176 = tpu.memref_slice %arg4[%add3A_174, %dma_start3A_175] : memref<2048x16384xf32, #tpu.memory_space<hbm>> -> memref<1x16384xf32, #tpu.memory_space<hbm>>
      %dma_start3A_177 = tpu.memref_squeeze %dma_start3A_176 : memref<1x16384xf32, #tpu.memory_space<hbm>> -> memref<16384xf32, #tpu.memory_space<hbm>>
      %dma_start3A_178 = arith.constant 0 : i32
      %dma_start3A_179 = tpu.memref_slice %arg4[%add3A_174, %dma_start3A_178] : memref<2048x16384xf32, #tpu.memory_space<hbm>> -> memref<1x16384xf32, #tpu.memory_space<hbm>>
      %dma_start3A_180 = tpu.memref_squeeze %dma_start3A_179 : memref<1x16384xf32, #tpu.memory_space<hbm>> -> memref<16384xf32, #tpu.memory_space<hbm>>
      tpu.enqueue_dma source(%arg11 : memref<16384xf32, #tpu.memory_space<vmem>>) target(%dma_start3A_180 : memref<16384xf32, #tpu.memory_space<hbm>>) target_semaphore(%arg19 : memref<!tpu.dma_semaphore, #tpu.memory_space<semaphore_mem>>)
      %lt3A_181 = arith.constant 15 : i32
      %lt3A_182 = arith.cmpi slt, %scan3A_116, %lt3A_181 : i32
      %convert_element_type3A_183 = arith.extui %lt3A_182 : i1 to i32
      %cond3A_184 = arith.constant 0 : i32
      %cond3A_185 = arith.cmpi ne, %convert_element_type3A_183, %cond3A_184 : i32
      scf.if %cond3A_185 {
        %add3A_260 = arith.constant 4 : i32
        %add3A_261 = arith.addi %add3A_152, %add3A_260 : i32
        %add3A_262 = arith.addi %mul3A_2, %add3A_261 : i32
        %shift_right_arithmetic3A_263 = arith.constant 3 : i32
        %shift_right_arithmetic3A_264 = arith.shrsi %add3A_262, %shift_right_arithmetic3A_263 : i32
        %and3A_265 = arith.constant 7 : i32
        %and3A_266 = arith.andi %add3A_262, %and3A_265 : i32
        %dma_start3A_267 = arith.constant 0 : i32
        %dma_start3A_268 = arith.constant 0 : i32
        %dma_start3A_269 = tpu.memref_slice %arg2[%shift_right_arithmetic3A_264, %dma_start3A_267, %and3A_266, %dma_start3A_268] : memref<256x16x8x128xi32, #tpu.memory_space<hbm>> -> memref<1x16x1x128xi32, #tpu.memory_space<hbm>>
        %dma_start3A_270 = tpu.memref_squeeze %dma_start3A_269 : memref<1x16x1x128xi32, #tpu.memory_space<hbm>> -> memref<16x128xi32, #tpu.memory_space<hbm>>
        %dma_start3A_271 = arith.constant 0 : i32
        %dma_start3A_272 = arith.constant 0 : i32
        %dma_start3A_273 = tpu.memref_slice %arg2[%shift_right_arithmetic3A_264, %dma_start3A_271, %and3A_266, %dma_start3A_272] : memref<256x16x8x128xi32, #tpu.memory_space<hbm>> -> memref<1x16x1x128xi32, #tpu.memory_space<hbm>>
        %dma_start3A_274 = tpu.memref_squeeze %dma_start3A_273 : memref<1x16x1x128xi32, #tpu.memory_space<hbm>> -> memref<16x128xi32, #tpu.memory_space<hbm>>
        tpu.enqueue_dma source(%dma_start3A_274 : memref<16x128xi32, #tpu.memory_space<hbm>>) target(%arg7 : memref<16x128xi32, #tpu.memory_space<vmem>>) target_semaphore(%arg15 : memref<!tpu.dma_semaphore, #tpu.memory_space<semaphore_mem>>)
      } else {
      }
      %mul3A_186 = arith.constant 4 : i32
      %mul3A_187 = arith.muli %scan3A_116, %mul3A_186 : i32
      %add3A_188 = arith.constant 2 : i32
      %add3A_189 = arith.addi %mul3A_187, %add3A_188 : i32
      %add3A_190 = arith.addi %mul3A_2, %add3A_189 : i32
      %shift_right_arithmetic3A_191 = arith.constant 3 : i32
      %shift_right_arithmetic3A_192 = arith.shrsi %add3A_190, %shift_right_arithmetic3A_191 : i32
      %and3A_193 = arith.constant 7 : i32
      %and3A_194 = arith.andi %add3A_190, %and3A_193 : i32
      %dma_wait3A_195 = arith.constant 0 : i32
      %dma_wait3A_196 = arith.constant 0 : i32
      %dma_wait3A_197 = tpu.memref_slice %arg2[%shift_right_arithmetic3A_192, %dma_wait3A_195, %and3A_194, %dma_wait3A_196] : memref<256x16x8x128xi32, #tpu.memory_space<hbm>> -> memref<1x16x1x128xi32, #tpu.memory_space<hbm>>
      %dma_wait3A_198 = tpu.memref_squeeze %dma_wait3A_197 : memref<1x16x1x128xi32, #tpu.memory_space<hbm>> -> memref<16x128xi32, #tpu.memory_space<hbm>>
      %dma_wait3A_199 = arith.constant 0 : i32
      %dma_wait3A_200 = arith.constant 0 : i32
      %dma_wait3A_201 = tpu.memref_slice %arg2[%shift_right_arithmetic3A_192, %dma_wait3A_199, %and3A_194, %dma_wait3A_200] : memref<256x16x8x128xi32, #tpu.memory_space<hbm>> -> memref<1x16x1x128xi32, #tpu.memory_space<hbm>>
      %dma_wait3A_202 = tpu.memref_squeeze %dma_wait3A_201 : memref<1x16x1x128xi32, #tpu.memory_space<hbm>> -> memref<16x128xi32, #tpu.memory_space<hbm>>
      tpu.wait_dma2 semaphore(%arg16 : memref<!tpu.dma_semaphore, #tpu.memory_space<semaphore_mem>>) src(%dma_wait3A_202 : memref<16x128xi32, #tpu.memory_space<hbm>>) dst(%arg8 : memref<16x128xi32, #tpu.memory_space<vmem>>)
      %ge3A_203 = arith.constant 1 : i32
      %ge3A_204 = arith.cmpi sge, %scan3A_116, %ge3A_203 : i32
      %convert_element_type3A_205 = arith.extui %ge3A_204 : i1 to i32
      %cond3A_206 = arith.constant 0 : i32
      %cond3A_207 = arith.cmpi ne, %convert_element_type3A_205, %cond3A_206 : i32
      scf.if %cond3A_207 {
        %sub3A = arith.constant 4 : i32
        %sub3A_260 = arith.subi %add3A_189, %sub3A : i32
        %add3A_261 = arith.addi %mul3A_2, %sub3A_260 : i32
        %dma_wait3A_262 = arith.constant 0 : i32
        %dma_wait3A_263 = tpu.memref_slice %arg4[%add3A_261, %dma_wait3A_262] : memref<2048x16384xf32, #tpu.memory_space<hbm>> -> memref<1x16384xf32, #tpu.memory_space<hbm>>
        %dma_wait3A_264 = tpu.memref_squeeze %dma_wait3A_263 : memref<1x16384xf32, #tpu.memory_space<hbm>> -> memref<16384xf32, #tpu.memory_space<hbm>>
        %dma_wait3A_265 = arith.constant 0 : i32
        %dma_wait3A_266 = tpu.memref_slice %arg4[%add3A_261, %dma_wait3A_265] : memref<2048x16384xf32, #tpu.memory_space<hbm>> -> memref<1x16384xf32, #tpu.memory_space<hbm>>
        %dma_wait3A_267 = tpu.memref_squeeze %dma_wait3A_266 : memref<1x16384xf32, #tpu.memory_space<hbm>> -> memref<16384xf32, #tpu.memory_space<hbm>>
        tpu.wait_dma2 semaphore(%arg20 : memref<!tpu.dma_semaphore, #tpu.memory_space<semaphore_mem>>) src(%arg12 : memref<16384xf32, #tpu.memory_space<vmem>>) dst(%dma_wait3A_267 : memref<16384xf32, #tpu.memory_space<hbm>>)
      } else {
      }
      %parallel_loop3A_208 = arith.constant 0 : i32
      %parallel_loop3A_209 = arith.constant 128 : i32
      %parallel_loop3A_210 = arith.constant 1 : i32
      scf.for %parallel_loop3A_260 = %parallel_loop3A_208 to %parallel_loop3A_209 step %parallel_loop3A_210  : i32 {
        %parallel_loop3A_261 = arith.constant 3 : i32
        %parallel_loop3A_262 = arith.shrsi %parallel_loop3A_260, %parallel_loop3A_261 : i32
        %parallel_loop3A_263 = arith.constant 7 : i32
        %parallel_loop3A_264 = arith.andi %parallel_loop3A_260, %parallel_loop3A_263 : i32
        %parallel_loop3A_265 = arith.constant 16 : i32
        %parallel_loop3A_266 = arith.muli %parallel_loop3A_264, %parallel_loop3A_265 : i32
        %parallel_loop3A_267 = arith.index_cast %parallel_loop3A_262 : i32 to index
        %parallel_loop3A_268 = arith.index_cast %parallel_loop3A_266 : i32 to index
        %parallel_loop3A_269 = tpu.vector_load %arg8[%parallel_loop3A_267, %parallel_loop3A_268] {strides = array<i32>} : memref<16x128xi32, #tpu.memory_space<vmem>>, vector<16xi32>,
        %parallel_loop3A_270 = arith.constant 128 : i32
        %parallel_loop3A_271 = vector.broadcast %parallel_loop3A_270 : i32 to vector<16xi32>
        %parallel_loop3A_272 = arith.muli %parallel_loop3A_269, %parallel_loop3A_271 : vector<16xi32>
        %parallel_loop3A_273 = arith.constant 3 : i32
        %parallel_loop3A_274 = arith.shrsi %parallel_loop3A_260, %parallel_loop3A_273 : i32
        %parallel_loop3A_275 = arith.constant 1024 : i32
        %parallel_loop3A_276 = arith.muli %parallel_loop3A_274, %parallel_loop3A_275 : i32
        %parallel_loop3A_277 = arith.constant 7 : i32
        %parallel_loop3A_278 = arith.andi %parallel_loop3A_260, %parallel_loop3A_277 : i32
        %parallel_loop3A_279 = arith.constant 16 : i32
        %parallel_loop3A_280 = arith.muli %parallel_loop3A_278, %parallel_loop3A_279 : i32
        %parallel_loop3A_281 = arith.addi %parallel_loop3A_276, %parallel_loop3A_280 : i32
        %parallel_loop3A_282 = arith.addi %parallel_loop3A_272, %add3A_5 : vector<16xi32>
        %parallel_loop3A_283 = tpu.vector_load_idx %arg5[%parallel_loop3A_282] : memref<1280xf32, #tpu.memory_space<vmem>>[vector<16xi32>], vector<16xf32>,
        %parallel_loop3A_284 = arith.addi %parallel_loop3A_272, %add3A_8 : vector<16xi32>
        %parallel_loop3A_285 = tpu.vector_load_idx %arg5[%parallel_loop3A_284] : memref<1280xf32, #tpu.memory_space<vmem>>[vector<16xi32>], vector<16xf32>,
        %parallel_loop3A_286 = arith.addi %parallel_loop3A_272, %add3A_11 : vector<16xi32>
        %parallel_loop3A_287 = tpu.vector_load_idx %arg5[%parallel_loop3A_286] : memref<1280xf32, #tpu.memory_space<vmem>>[vector<16xi32>], vector<16xf32>,
        %parallel_loop3A_288 = arith.addi %parallel_loop3A_272, %add3A_14 : vector<16xi32>
        %parallel_loop3A_289 = tpu.vector_load_idx %arg5[%parallel_loop3A_288] : memref<1280xf32, #tpu.memory_space<vmem>>[vector<16xi32>], vector<16xf32>,
        %parallel_loop3A_290 = arith.addi %parallel_loop3A_272, %add3A_17 : vector<16xi32>
        %parallel_loop3A_291 = tpu.vector_load_idx %arg5[%parallel_loop3A_290] : memref<1280xf32, #tpu.memory_space<vmem>>[vector<16xi32>], vector<16xf32>,
        %parallel_loop3A_292 = arith.addi %parallel_loop3A_272, %add3A_20 : vector<16xi32>
        %parallel_loop3A_293 = tpu.vector_load_idx %arg5[%parallel_loop3A_292] : memref<1280xf32, #tpu.memory_space<vmem>>[vector<16xi32>], vector<16xf32>,
        %parallel_loop3A_294 = arith.addi %parallel_loop3A_272, %add3A_23 : vector<16xi32>
        %parallel_loop3A_295 = tpu.vector_load_idx %arg5[%parallel_loop3A_294] : memref<1280xf32, #tpu.memory_space<vmem>>[vector<16xi32>], vector<16xf32>,
        %parallel_loop3A_296 = arith.addi %parallel_loop3A_272, %add3A_26 : vector<16xi32>
        %parallel_loop3A_297 = tpu.vector_load_idx %arg5[%parallel_loop3A_296] : memref<1280xf32, #tpu.memory_space<vmem>>[vector<16xi32>], vector<16xf32>,
        %parallel_loop3A_298 = arith.constant 0 : i32
        %parallel_loop3A_299 = arith.addi %parallel_loop3A_281, %parallel_loop3A_298 : i32
        %parallel_loop3A_300 = arith.index_cast %parallel_loop3A_299 : i32 to index
        %parallel_loop3A_301 = tpu.vector_load %arg12[%parallel_loop3A_300] {strides = array<i32>} : memref<16384xf32, #tpu.memory_space<vmem>>, vector<16xf32>,
        tpu.vector_store %arg12[%parallel_loop3A_300], %parallel_loop3A_283 {strides = array<i32>} : memref<16384xf32, #tpu.memory_space<vmem>>, vector<16xf32>,
        %parallel_loop3A_302 = arith.constant 128 : i32
        %parallel_loop3A_303 = arith.addi %parallel_loop3A_281, %parallel_loop3A_302 : i32
        %parallel_loop3A_304 = arith.index_cast %parallel_loop3A_303 : i32 to index
        %parallel_loop3A_305 = tpu.vector_load %arg12[%parallel_loop3A_304] {strides = array<i32>} : memref<16384xf32, #tpu.memory_space<vmem>>, vector<16xf32>,
        tpu.vector_store %arg12[%parallel_loop3A_304], %parallel_loop3A_285 {strides = array<i32>} : memref<16384xf32, #tpu.memory_space<vmem>>, vector<16xf32>,
        %parallel_loop3A_306 = arith.constant 256 : i32
        %parallel_loop3A_307 = arith.addi %parallel_loop3A_281, %parallel_loop3A_306 : i32
        %parallel_loop3A_308 = arith.index_cast %parallel_loop3A_307 : i32 to index
        %parallel_loop3A_309 = tpu.vector_load %arg12[%parallel_loop3A_308] {strides = array<i32>} : memref<16384xf32, #tpu.memory_space<vmem>>, vector<16xf32>,
        tpu.vector_store %arg12[%parallel_loop3A_308], %parallel_loop3A_287 {strides = array<i32>} : memref<16384xf32, #tpu.memory_space<vmem>>, vector<16xf32>,
        %parallel_loop3A_310 = arith.constant 384 : i32
        %parallel_loop3A_311 = arith.addi %parallel_loop3A_281, %parallel_loop3A_310 : i32
        %parallel_loop3A_312 = arith.index_cast %parallel_loop3A_311 : i32 to index
        %parallel_loop3A_313 = tpu.vector_load %arg12[%parallel_loop3A_312] {strides = array<i32>} : memref<16384xf32, #tpu.memory_space<vmem>>, vector<16xf32>,
        tpu.vector_store %arg12[%parallel_loop3A_312], %parallel_loop3A_289 {strides = array<i32>} : memref<16384xf32, #tpu.memory_space<vmem>>, vector<16xf32>,
        %parallel_loop3A_314 = arith.constant 512 : i32
        %parallel_loop3A_315 = arith.addi %parallel_loop3A_281, %parallel_loop3A_314 : i32
        %parallel_loop3A_316 = arith.index_cast %parallel_loop3A_315 : i32 to index
        %parallel_loop3A_317 = tpu.vector_load %arg12[%parallel_loop3A_316] {strides = array<i32>} : memref<16384xf32, #tpu.memory_space<vmem>>, vector<16xf32>,
        tpu.vector_store %arg12[%parallel_loop3A_316], %parallel_loop3A_291 {strides = array<i32>} : memref<16384xf32, #tpu.memory_space<vmem>>, vector<16xf32>,
        %parallel_loop3A_318 = arith.constant 640 : i32
        %parallel_loop3A_319 = arith.addi %parallel_loop3A_281, %parallel_loop3A_318 : i32
        %parallel_loop3A_320 = arith.index_cast %parallel_loop3A_319 : i32 to index
        %parallel_loop3A_321 = tpu.vector_load %arg12[%parallel_loop3A_320] {strides = array<i32>} : memref<16384xf32, #tpu.memory_space<vmem>>, vector<16xf32>,
        tpu.vector_store %arg12[%parallel_loop3A_320], %parallel_loop3A_293 {strides = array<i32>} : memref<16384xf32, #tpu.memory_space<vmem>>, vector<16xf32>,
        %parallel_loop3A_322 = arith.constant 768 : i32
        %parallel_loop3A_323 = arith.addi %parallel_loop3A_281, %parallel_loop3A_322 : i32
        %parallel_loop3A_324 = arith.index_cast %parallel_loop3A_323 : i32 to index
        %parallel_loop3A_325 = tpu.vector_load %arg12[%parallel_loop3A_324] {strides = array<i32>} : memref<16384xf32, #tpu.memory_space<vmem>>, vector<16xf32>,
        tpu.vector_store %arg12[%parallel_loop3A_324], %parallel_loop3A_295 {strides = array<i32>} : memref<16384xf32, #tpu.memory_space<vmem>>, vector<16xf32>,
        %parallel_loop3A_326 = arith.constant 896 : i32
        %parallel_loop3A_327 = arith.addi %parallel_loop3A_281, %parallel_loop3A_326 : i32
        %parallel_loop3A_328 = arith.index_cast %parallel_loop3A_327 : i32 to index
        %parallel_loop3A_329 = tpu.vector_load %arg12[%parallel_loop3A_328] {strides = array<i32>} : memref<16384xf32, #tpu.memory_space<vmem>>, vector<16xf32>,
        tpu.vector_store %arg12[%parallel_loop3A_328], %parallel_loop3A_297 {strides = array<i32>} : memref<16384xf32, #tpu.memory_space<vmem>>, vector<16xf32>,
      } {sc.loop_unroll_factor = 2 : i64, sc.parallel_access}
      %add3A_211 = arith.addi %mul3A_2, %add3A_189 : i32
      %dma_start3A_212 = arith.constant 0 : i32
      %dma_start3A_213 = tpu.memref_slice %arg4[%add3A_211, %dma_start3A_212] : memref<2048x16384xf32, #tpu.memory_space<hbm>> -> memref<1x16384xf32, #tpu.memory_space<hbm>>
      %dma_start3A_214 = tpu.memref_squeeze %dma_start3A_213 : memref<1x16384xf32, #tpu.memory_space<hbm>> -> memref<16384xf32, #tpu.memory_space<hbm>>
      %dma_start3A_215 = arith.constant 0 : i32
      %dma_start3A_216 = tpu.memref_slice %arg4[%add3A_211, %dma_start3A_215] : memref<2048x16384xf32, #tpu.memory_space<hbm>> -> memref<1x16384xf32, #tpu.memory_space<hbm>>
      %dma_start3A_217 = tpu.memref_squeeze %dma_start3A_216 : memref<1x16384xf32, #tpu.memory_space<hbm>> -> memref<16384xf32, #tpu.memory_space<hbm>>
      tpu.enqueue_dma source(%arg12 : memref<16384xf32, #tpu.memory_space<vmem>>) target(%dma_start3A_217 : memref<16384xf32, #tpu.memory_space<hbm>>) target_semaphore(%arg20 : memref<!tpu.dma_semaphore, #tpu.memory_space<semaphore_mem>>)
      %lt3A_218 = arith.constant 15 : i32
      %lt3A_219 = arith.cmpi slt, %scan3A_116, %lt3A_218 : i32
      %convert_element_type3A_220 = arith.extui %lt3A_219 : i1 to i32
      %cond3A_221 = arith.constant 0 : i32
      %cond3A_222 = arith.cmpi ne, %convert_element_type3A_220, %cond3A_221 : i32
      scf.if %cond3A_222 {
        %add3A_260 = arith.constant 4 : i32
        %add3A_261 = arith.addi %add3A_189, %add3A_260 : i32
        %add3A_262 = arith.addi %mul3A_2, %add3A_261 : i32
        %shift_right_arithmetic3A_263 = arith.constant 3 : i32
        %shift_right_arithmetic3A_264 = arith.shrsi %add3A_262, %shift_right_arithmetic3A_263 : i32
        %and3A_265 = arith.constant 7 : i32
        %and3A_266 = arith.andi %add3A_262, %and3A_265 : i32
        %dma_start3A_267 = arith.constant 0 : i32
        %dma_start3A_268 = arith.constant 0 : i32
        %dma_start3A_269 = tpu.memref_slice %arg2[%shift_right_arithmetic3A_264, %dma_start3A_267, %and3A_266, %dma_start3A_268] : memref<256x16x8x128xi32, #tpu.memory_space<hbm>> -> memref<1x16x1x128xi32, #tpu.memory_space<hbm>>
        %dma_start3A_270 = tpu.memref_squeeze %dma_start3A_269 : memref<1x16x1x128xi32, #tpu.memory_space<hbm>> -> memref<16x128xi32, #tpu.memory_space<hbm>>
        %dma_start3A_271 = arith.constant 0 : i32
        %dma_start3A_272 = arith.constant 0 : i32
        %dma_start3A_273 = tpu.memref_slice %arg2[%shift_right_arithmetic3A_264, %dma_start3A_271, %and3A_266, %dma_start3A_272] : memref<256x16x8x128xi32, #tpu.memory_space<hbm>> -> memref<1x16x1x128xi32, #tpu.memory_space<hbm>>
        %dma_start3A_274 = tpu.memref_squeeze %dma_start3A_273 : memref<1x16x1x128xi32, #tpu.memory_space<hbm>> -> memref<16x128xi32, #tpu.memory_space<hbm>>
        tpu.enqueue_dma source(%dma_start3A_274 : memref<16x128xi32, #tpu.memory_space<hbm>>) target(%arg8 : memref<16x128xi32, #tpu.memory_space<vmem>>) target_semaphore(%arg16 : memref<!tpu.dma_semaphore, #tpu.memory_space<semaphore_mem>>)
      } else {
      }
      %mul3A_223 = arith.constant 4 : i32
      %mul3A_224 = arith.muli %scan3A_116, %mul3A_223 : i32
      %add3A_225 = arith.constant 3 : i32
      %add3A_226 = arith.addi %mul3A_224, %add3A_225 : i32
      %add3A_227 = arith.addi %mul3A_2, %add3A_226 : i32
      %shift_right_arithmetic3A_228 = arith.constant 3 : i32
      %shift_right_arithmetic3A_229 = arith.shrsi %add3A_227, %shift_right_arithmetic3A_228 : i32
      %and3A_230 = arith.constant 7 : i32
      %and3A_231 = arith.andi %add3A_227, %and3A_230 : i32
      %dma_wait3A_232 = arith.constant 0 : i32
      %dma_wait3A_233 = arith.constant 0 : i32
      %dma_wait3A_234 = tpu.memref_slice %arg2[%shift_right_arithmetic3A_229, %dma_wait3A_232, %and3A_231, %dma_wait3A_233] : memref<256x16x8x128xi32, #tpu.memory_space<hbm>> -> memref<1x16x1x128xi32, #tpu.memory_space<hbm>>
      %dma_wait3A_235 = tpu.memref_squeeze %dma_wait3A_234 : memref<1x16x1x128xi32, #tpu.memory_space<hbm>> -> memref<16x128xi32, #tpu.memory_space<hbm>>
      %dma_wait3A_236 = arith.constant 0 : i32
      %dma_wait3A_237 = arith.constant 0 : i32
      %dma_wait3A_238 = tpu.memref_slice %arg2[%shift_right_arithmetic3A_229, %dma_wait3A_236, %and3A_231, %dma_wait3A_237] : memref<256x16x8x128xi32, #tpu.memory_space<hbm>> -> memref<1x16x1x128xi32, #tpu.memory_space<hbm>>
      %dma_wait3A_239 = tpu.memref_squeeze %dma_wait3A_238 : memref<1x16x1x128xi32, #tpu.memory_space<hbm>> -> memref<16x128xi32, #tpu.memory_space<hbm>>
      tpu.wait_dma2 semaphore(%arg17 : memref<!tpu.dma_semaphore, #tpu.memory_space<semaphore_mem>>) src(%dma_wait3A_239 : memref<16x128xi32, #tpu.memory_space<hbm>>) dst(%arg9 : memref<16x128xi32, #tpu.memory_space<vmem>>)
      %ge3A_240 = arith.constant 1 : i32
      %ge3A_241 = arith.cmpi sge, %scan3A_116, %ge3A_240 : i32
      %convert_element_type3A_242 = arith.extui %ge3A_241 : i1 to i32
      %cond3A_243 = arith.constant 0 : i32
      %cond3A_244 = arith.cmpi ne, %convert_element_type3A_242, %cond3A_243 : i32
      scf.if %cond3A_244 {
        %sub3A = arith.constant 4 : i32
        %sub3A_260 = arith.subi %add3A_226, %sub3A : i32
        %add3A_261 = arith.addi %mul3A_2, %sub3A_260 : i32
        %dma_wait3A_262 = arith.constant 0 : i32
        %dma_wait3A_263 = tpu.memref_slice %arg4[%add3A_261, %dma_wait3A_262] : memref<2048x16384xf32, #tpu.memory_space<hbm>> -> memref<1x16384xf32, #tpu.memory_space<hbm>>
        %dma_wait3A_264 = tpu.memref_squeeze %dma_wait3A_263 : memref<1x16384xf32, #tpu.memory_space<hbm>> -> memref<16384xf32, #tpu.memory_space<hbm>>
        %dma_wait3A_265 = arith.constant 0 : i32
        %dma_wait3A_266 = tpu.memref_slice %arg4[%add3A_261, %dma_wait3A_265] : memref<2048x16384xf32, #tpu.memory_space<hbm>> -> memref<1x16384xf32, #tpu.memory_space<hbm>>
        %dma_wait3A_267 = tpu.memref_squeeze %dma_wait3A_266 : memref<1x16384xf32, #tpu.memory_space<hbm>> -> memref<16384xf32, #tpu.memory_space<hbm>>
        tpu.wait_dma2 semaphore(%arg21 : memref<!tpu.dma_semaphore, #tpu.memory_space<semaphore_mem>>) src(%arg13 : memref<16384xf32, #tpu.memory_space<vmem>>) dst(%dma_wait3A_267 : memref<16384xf32, #tpu.memory_space<hbm>>)
      } else {
      }
      %parallel_loop3A_245 = arith.constant 0 : i32
      %parallel_loop3A_246 = arith.constant 128 : i32
      %parallel_loop3A_247 = arith.constant 1 : i32
      scf.for %parallel_loop3A_260 = %parallel_loop3A_245 to %parallel_loop3A_246 step %parallel_loop3A_247  : i32 {
        %parallel_loop3A_261 = arith.constant 3 : i32
        %parallel_loop3A_262 = arith.shrsi %parallel_loop3A_260, %parallel_loop3A_261 : i32
        %parallel_loop3A_263 = arith.constant 7 : i32
        %parallel_loop3A_264 = arith.andi %parallel_loop3A_260, %parallel_loop3A_263 : i32
        %parallel_loop3A_265 = arith.constant 16 : i32
        %parallel_loop3A_266 = arith.muli %parallel_loop3A_264, %parallel_loop3A_265 : i32
        %parallel_loop3A_267 = arith.index_cast %parallel_loop3A_262 : i32 to index
        %parallel_loop3A_268 = arith.index_cast %parallel_loop3A_266 : i32 to index
        %parallel_loop3A_269 = tpu.vector_load %arg9[%parallel_loop3A_267, %parallel_loop3A_268] {strides = array<i32>} : memref<16x128xi32, #tpu.memory_space<vmem>>, vector<16xi32>,
        %parallel_loop3A_270 = arith.constant 128 : i32
        %parallel_loop3A_271 = vector.broadcast %parallel_loop3A_270 : i32 to vector<16xi32>
        %parallel_loop3A_272 = arith.muli %parallel_loop3A_269, %parallel_loop3A_271 : vector<16xi32>
        %parallel_loop3A_273 = arith.constant 3 : i32
        %parallel_loop3A_274 = arith.shrsi %parallel_loop3A_260, %parallel_loop3A_273 : i32
        %parallel_loop3A_275 = arith.constant 1024 : i32
        %parallel_loop3A_276 = arith.muli %parallel_loop3A_274, %parallel_loop3A_275 : i32
        %parallel_loop3A_277 = arith.constant 7 : i32
        %parallel_loop3A_278 = arith.andi %parallel_loop3A_260, %parallel_loop3A_277 : i32
        %parallel_loop3A_279 = arith.constant 16 : i32
        %parallel_loop3A_280 = arith.muli %parallel_loop3A_278, %parallel_loop3A_279 : i32
        %parallel_loop3A_281 = arith.addi %parallel_loop3A_276, %parallel_loop3A_280 : i32
        %parallel_loop3A_282 = arith.addi %parallel_loop3A_272, %add3A_5 : vector<16xi32>
        %parallel_loop3A_283 = tpu.vector_load_idx %arg5[%parallel_loop3A_282] : memref<1280xf32, #tpu.memory_space<vmem>>[vector<16xi32>], vector<16xf32>,
        %parallel_loop3A_284 = arith.addi %parallel_loop3A_272, %add3A_8 : vector<16xi32>
        %parallel_loop3A_285 = tpu.vector_load_idx %arg5[%parallel_loop3A_284] : memref<1280xf32, #tpu.memory_space<vmem>>[vector<16xi32>], vector<16xf32>,
        %parallel_loop3A_286 = arith.addi %parallel_loop3A_272, %add3A_11 : vector<16xi32>
        %parallel_loop3A_287 = tpu.vector_load_idx %arg5[%parallel_loop3A_286] : memref<1280xf32, #tpu.memory_space<vmem>>[vector<16xi32>], vector<16xf32>,
        %parallel_loop3A_288 = arith.addi %parallel_loop3A_272, %add3A_14 : vector<16xi32>
        %parallel_loop3A_289 = tpu.vector_load_idx %arg5[%parallel_loop3A_288] : memref<1280xf32, #tpu.memory_space<vmem>>[vector<16xi32>], vector<16xf32>,
        %parallel_loop3A_290 = arith.addi %parallel_loop3A_272, %add3A_17 : vector<16xi32>
        %parallel_loop3A_291 = tpu.vector_load_idx %arg5[%parallel_loop3A_290] : memref<1280xf32, #tpu.memory_space<vmem>>[vector<16xi32>], vector<16xf32>,
        %parallel_loop3A_292 = arith.addi %parallel_loop3A_272, %add3A_20 : vector<16xi32>
        %parallel_loop3A_293 = tpu.vector_load_idx %arg5[%parallel_loop3A_292] : memref<1280xf32, #tpu.memory_space<vmem>>[vector<16xi32>], vector<16xf32>,
        %parallel_loop3A_294 = arith.addi %parallel_loop3A_272, %add3A_23 : vector<16xi32>
        %parallel_loop3A_295 = tpu.vector_load_idx %arg5[%parallel_loop3A_294] : memref<1280xf32, #tpu.memory_space<vmem>>[vector<16xi32>], vector<16xf32>,
        %parallel_loop3A_296 = arith.addi %parallel_loop3A_272, %add3A_26 : vector<16xi32>
        %parallel_loop3A_297 = tpu.vector_load_idx %arg5[%parallel_loop3A_296] : memref<1280xf32, #tpu.memory_space<vmem>>[vector<16xi32>], vector<16xf32>,
        %parallel_loop3A_298 = arith.constant 0 : i32
        %parallel_loop3A_299 = arith.addi %parallel_loop3A_281, %parallel_loop3A_298 : i32
        %parallel_loop3A_300 = arith.index_cast %parallel_loop3A_299 : i32 to index
        %parallel_loop3A_301 = tpu.vector_load %arg13[%parallel_loop3A_300] {strides = array<i32>} : memref<16384xf32, #tpu.memory_space<vmem>>, vector<16xf32>,
        tpu.vector_store %arg13[%parallel_loop3A_300], %parallel_loop3A_283 {strides = array<i32>} : memref<16384xf32, #tpu.memory_space<vmem>>, vector<16xf32>,
        %parallel_loop3A_302 = arith.constant 128 : i32
        %parallel_loop3A_303 = arith.addi %parallel_loop3A_281, %parallel_loop3A_302 : i32
        %parallel_loop3A_304 = arith.index_cast %parallel_loop3A_303 : i32 to index
        %parallel_loop3A_305 = tpu.vector_load %arg13[%parallel_loop3A_304] {strides = array<i32>} : memref<16384xf32, #tpu.memory_space<vmem>>, vector<16xf32>,
        tpu.vector_store %arg13[%parallel_loop3A_304], %parallel_loop3A_285 {strides = array<i32>} : memref<16384xf32, #tpu.memory_space<vmem>>, vector<16xf32>,
        %parallel_loop3A_306 = arith.constant 256 : i32
        %parallel_loop3A_307 = arith.addi %parallel_loop3A_281, %parallel_loop3A_306 : i32
        %parallel_loop3A_308 = arith.index_cast %parallel_loop3A_307 : i32 to index
        %parallel_loop3A_309 = tpu.vector_load %arg13[%parallel_loop3A_308] {strides = array<i32>} : memref<16384xf32, #tpu.memory_space<vmem>>, vector<16xf32>,
        tpu.vector_store %arg13[%parallel_loop3A_308], %parallel_loop3A_287 {strides = array<i32>} : memref<16384xf32, #tpu.memory_space<vmem>>, vector<16xf32>,
        %parallel_loop3A_310 = arith.constant 384 : i32
        %parallel_loop3A_311 = arith.addi %parallel_loop3A_281, %parallel_loop3A_310 : i32
        %parallel_loop3A_312 = arith.index_cast %parallel_loop3A_311 : i32 to index
        %parallel_loop3A_313 = tpu.vector_load %arg13[%parallel_loop3A_312] {strides = array<i32>} : memref<16384xf32, #tpu.memory_space<vmem>>, vector<16xf32>,
        tpu.vector_store %arg13[%parallel_loop3A_312], %parallel_loop3A_289 {strides = array<i32>} : memref<16384xf32, #tpu.memory_space<vmem>>, vector<16xf32>,
        %parallel_loop3A_314 = arith.constant 512 : i32
        %parallel_loop3A_315 = arith.addi %parallel_loop3A_281, %parallel_loop3A_314 : i32
        %parallel_loop3A_316 = arith.index_cast %parallel_loop3A_315 : i32 to index
        %parallel_loop3A_317 = tpu.vector_load %arg13[%parallel_loop3A_316] {strides = array<i32>} : memref<16384xf32, #tpu.memory_space<vmem>>, vector<16xf32>,
        tpu.vector_store %arg13[%parallel_loop3A_316], %parallel_loop3A_291 {strides = array<i32>} : memref<16384xf32, #tpu.memory_space<vmem>>, vector<16xf32>,
        %parallel_loop3A_318 = arith.constant 640 : i32
        %parallel_loop3A_319 = arith.addi %parallel_loop3A_281, %parallel_loop3A_318 : i32
        %parallel_loop3A_320 = arith.index_cast %parallel_loop3A_319 : i32 to index
        %parallel_loop3A_321 = tpu.vector_load %arg13[%parallel_loop3A_320] {strides = array<i32>} : memref<16384xf32, #tpu.memory_space<vmem>>, vector<16xf32>,
        tpu.vector_store %arg13[%parallel_loop3A_320], %parallel_loop3A_293 {strides = array<i32>} : memref<16384xf32, #tpu.memory_space<vmem>>, vector<16xf32>,
        %parallel_loop3A_322 = arith.constant 768 : i32
        %parallel_loop3A_323 = arith.addi %parallel_loop3A_281, %parallel_loop3A_322 : i32
        %parallel_loop3A_324 = arith.index_cast %parallel_loop3A_323 : i32 to index
        %parallel_loop3A_325 = tpu.vector_load %arg13[%parallel_loop3A_324] {strides = array<i32>} : memref<16384xf32, #tpu.memory_space<vmem>>, vector<16xf32>,
        tpu.vector_store %arg13[%parallel_loop3A_324], %parallel_loop3A_295 {strides = array<i32>} : memref<16384xf32, #tpu.memory_space<vmem>>, vector<16xf32>,
        %parallel_loop3A_326 = arith.constant 896 : i32
        %parallel_loop3A_327 = arith.addi %parallel_loop3A_281, %parallel_loop3A_326 : i32
        %parallel_loop3A_328 = arith.index_cast %parallel_loop3A_327 : i32 to index
        %parallel_loop3A_329 = tpu.vector_load %arg13[%parallel_loop3A_328] {strides = array<i32>} : memref<16384xf32, #tpu.memory_space<vmem>>, vector<16xf32>,
        tpu.vector_store %arg13[%parallel_loop3A_328], %parallel_loop3A_297 {strides = array<i32>} : memref<16384xf32, #tpu.memory_space<vmem>>, vector<16xf32>,
      } {sc.loop_unroll_factor = 2 : i64, sc.parallel_access}
      %add3A_248 = arith.addi %mul3A_2, %add3A_226 : i32
      %dma_start3A_249 = arith.constant 0 : i32
      %dma_start3A_250 = tpu.memref_slice %arg4[%add3A_248, %dma_start3A_249] : memref<2048x16384xf32, #tpu.memory_space<hbm>> -> memref<1x16384xf32, #tpu.memory_space<hbm>>
      %dma_start3A_251 = tpu.memref_squeeze %dma_start3A_250 : memref<1x16384xf32, #tpu.memory_space<hbm>> -> memref<16384xf32, #tpu.memory_space<hbm>>
      %dma_start3A_252 = arith.constant 0 : i32
      %dma_start3A_253 = tpu.memref_slice %arg4[%add3A_248, %dma_start3A_252] : memref<2048x16384xf32, #tpu.memory_space<hbm>> -> memref<1x16384xf32, #tpu.memory_space<hbm>>
      %dma_start3A_254 = tpu.memref_squeeze %dma_start3A_253 : memref<1x16384xf32, #tpu.memory_space<hbm>> -> memref<16384xf32, #tpu.memory_space<hbm>>
      tpu.enqueue_dma source(%arg13 : memref<16384xf32, #tpu.memory_space<vmem>>) target(%dma_start3A_254 : memref<16384xf32, #tpu.memory_space<hbm>>) target_semaphore(%arg21 : memref<!tpu.dma_semaphore, #tpu.memory_space<semaphore_mem>>)
      %lt3A_255 = arith.constant 15 : i32
      %lt3A_256 = arith.cmpi slt, %scan3A_116, %lt3A_255 : i32
      %convert_element_type3A_257 = arith.extui %lt3A_256 : i1 to i32
      %cond3A_258 = arith.constant 0 : i32
      %cond3A_259 = arith.cmpi ne, %convert_element_type3A_257, %cond3A_258 : i32
      scf.if %cond3A_259 {
        %add3A_260 = arith.constant 4 : i32
        %add3A_261 = arith.addi %add3A_226, %add3A_260 : i32
        %add3A_262 = arith.addi %mul3A_2, %add3A_261 : i32
        %shift_right_arithmetic3A_263 = arith.constant 3 : i32
        %shift_right_arithmetic3A_264 = arith.shrsi %add3A_262, %shift_right_arithmetic3A_263 : i32
        %and3A_265 = arith.constant 7 : i32
        %and3A_266 = arith.andi %add3A_262, %and3A_265 : i32
        %dma_start3A_267 = arith.constant 0 : i32
        %dma_start3A_268 = arith.constant 0 : i32
        %dma_start3A_269 = tpu.memref_slice %arg2[%shift_right_arithmetic3A_264, %dma_start3A_267, %and3A_266, %dma_start3A_268] : memref<256x16x8x128xi32, #tpu.memory_space<hbm>> -> memref<1x16x1x128xi32, #tpu.memory_space<hbm>>
        %dma_start3A_270 = tpu.memref_squeeze %dma_start3A_269 : memref<1x16x1x128xi32, #tpu.memory_space<hbm>> -> memref<16x128xi32, #tpu.memory_space<hbm>>
        %dma_start3A_271 = arith.constant 0 : i32
        %dma_start3A_272 = arith.constant 0 : i32
        %dma_start3A_273 = tpu.memref_slice %arg2[%shift_right_arithmetic3A_264, %dma_start3A_271, %and3A_266, %dma_start3A_272] : memref<256x16x8x128xi32, #tpu.memory_space<hbm>> -> memref<1x16x1x128xi32, #tpu.memory_space<hbm>>
        %dma_start3A_274 = tpu.memref_squeeze %dma_start3A_273 : memref<1x16x1x128xi32, #tpu.memory_space<hbm>> -> memref<16x128xi32, #tpu.memory_space<hbm>>
        tpu.enqueue_dma source(%dma_start3A_274 : memref<16x128xi32, #tpu.memory_space<hbm>>) target(%arg9 : memref<16x128xi32, #tpu.memory_space<vmem>>) target_semaphore(%arg17 : memref<!tpu.dma_semaphore, #tpu.memory_space<semaphore_mem>>)
      } else {
      }
    }
    %scan3A_84 = arith.constant 16 : i32
    %add3A_85 = arith.constant 60 : i32
    %add3A_86 = arith.addi %mul3A_2, %add3A_85 : i32
    %dma_wait3A = arith.constant 0 : i32
    %dma_wait3A_87 = tpu.memref_slice %arg4[%add3A_86, %dma_wait3A] : memref<2048x16384xf32, #tpu.memory_space<hbm>> -> memref<1x16384xf32, #tpu.memory_space<hbm>>
    %dma_wait3A_88 = tpu.memref_squeeze %dma_wait3A_87 : memref<1x16384xf32, #tpu.memory_space<hbm>> -> memref<16384xf32, #tpu.memory_space<hbm>>
    %dma_wait3A_89 = arith.constant 0 : i32
    %dma_wait3A_90 = tpu.memref_slice %arg4[%add3A_86, %dma_wait3A_89] : memref<2048x16384xf32, #tpu.memory_space<hbm>> -> memref<1x16384xf32, #tpu.memory_space<hbm>>
    %dma_wait3A_91 = tpu.memref_squeeze %dma_wait3A_90 : memref<1x16384xf32, #tpu.memory_space<hbm>> -> memref<16384xf32, #tpu.memory_space<hbm>>
    tpu.wait_dma2 semaphore(%arg18 : memref<!tpu.dma_semaphore, #tpu.memory_space<semaphore_mem>>) src(%arg10 : memref<16384xf32, #tpu.memory_space<vmem>>) dst(%dma_wait3A_91 : memref<16384xf32, #tpu.memory_space<hbm>>)
    %add3A_92 = arith.constant 61 : i32
    %add3A_93 = arith.addi %mul3A_2, %add3A_92 : i32
    %dma_wait3A_94 = arith.constant 0 : i32
    %dma_wait3A_95 = tpu.memref_slice %arg4[%add3A_93, %dma_wait3A_94] : memref<2048x16384xf32, #tpu.memory_space<hbm>> -> memref<1x16384xf32, #tpu.memory_space<hbm>>
    %dma_wait3A_96 = tpu.memref_squeeze %dma_wait3A_95 : memref<1x16384xf32, #tpu.memory_space<hbm>> -> memref<16384xf32, #tpu.memory_space<hbm>>
    %dma_wait3A_97 = arith.constant 0 : i32
    %dma_wait3A_98 = tpu.memref_slice %arg4[%add3A_93, %dma_wait3A_97] : memref<2048x16384xf32, #tpu.memory_space<hbm>> -> memref<1x16384xf32, #tpu.memory_space<hbm>>
    %dma_wait3A_99 = tpu.memref_squeeze %dma_wait3A_98 : memref<1x16384xf32, #tpu.memory_space<hbm>> -> memref<16384xf32, #tpu.memory_space<hbm>>
    tpu.wait_dma2 semaphore(%arg19 : memref<!tpu.dma_semaphore, #tpu.memory_space<semaphore_mem>>) src(%arg11 : memref<16384xf32, #tpu.memory_space<vmem>>) dst(%dma_wait3A_99 : memref<16384xf32, #tpu.memory_space<hbm>>)
    %add3A_100 = arith.constant 62 : i32
    %add3A_101 = arith.addi %mul3A_2, %add3A_100 : i32
    %dma_wait3A_102 = arith.constant 0 : i32
    %dma_wait3A_103 = tpu.memref_slice %arg4[%add3A_101, %dma_wait3A_102] : memref<2048x16384xf32, #tpu.memory_space<hbm>> -> memref<1x16384xf32, #tpu.memory_space<hbm>>
    %dma_wait3A_104 = tpu.memref_squeeze %dma_wait3A_103 : memref<1x16384xf32, #tpu.memory_space<hbm>> -> memref<16384xf32, #tpu.memory_space<hbm>>
    %dma_wait3A_105 = arith.constant 0 : i32
    %dma_wait3A_106 = tpu.memref_slice %arg4[%add3A_101, %dma_wait3A_105] : memref<2048x16384xf32, #tpu.memory_space<hbm>> -> memref<1x16384xf32, #tpu.memory_space<hbm>>
    %dma_wait3A_107 = tpu.memref_squeeze %dma_wait3A_106 : memref<1x16384xf32, #tpu.memory_space<hbm>> -> memref<16384xf32, #tpu.memory_space<hbm>>
    tpu.wait_dma2 semaphore(%arg20 : memref<!tpu.dma_semaphore, #tpu.memory_space<semaphore_mem>>) src(%arg12 : memref<16384xf32, #tpu.memory_space<vmem>>) dst(%dma_wait3A_107 : memref<16384xf32, #tpu.memory_space<hbm>>)
    %add3A_108 = arith.constant 63 : i32
    %add3A_109 = arith.addi %mul3A_2, %add3A_108 : i32
    %dma_wait3A_110 = arith.constant 0 : i32
    %dma_wait3A_111 = tpu.memref_slice %arg4[%add3A_109, %dma_wait3A_110] : memref<2048x16384xf32, #tpu.memory_space<hbm>> -> memref<1x16384xf32, #tpu.memory_space<hbm>>
    %dma_wait3A_112 = tpu.memref_squeeze %dma_wait3A_111 : memref<1x16384xf32, #tpu.memory_space<hbm>> -> memref<16384xf32, #tpu.memory_space<hbm>>
    %dma_wait3A_113 = arith.constant 0 : i32
    %dma_wait3A_114 = tpu.memref_slice %arg4[%add3A_109, %dma_wait3A_113] : memref<2048x16384xf32, #tpu.memory_space<hbm>> -> memref<1x16384xf32, #tpu.memory_space<hbm>>
    %dma_wait3A_115 = tpu.memref_squeeze %dma_wait3A_114 : memref<1x16384xf32, #tpu.memory_space<hbm>> -> memref<16384xf32, #tpu.memory_space<hbm>>
    tpu.wait_dma2 semaphore(%arg21 : memref<!tpu.dma_semaphore, #tpu.memory_space<semaphore_mem>>) src(%arg13 : memref<16384xf32, #tpu.memory_space<vmem>>) dst(%dma_wait3A_115 : memref<16384xf32, #tpu.memory_space<hbm>>)
    return
  }
}

</mosaic_0001>

<sc_bundles>
// kernel: kernel.3.cloned.1.call-start
scs
__scs_entry_jumppad:
0x0: {  	(pc) =	sbr.rel $0x88, $3  }
0x1: {  	(tag) =	ssettag $0x0;
	lr =	simm.s32 $0x1  }
0x2: {  	[smem:$0x3F9F] =	sst lr;
	_ =	strace $0xD0000000  }
0x3: {  	_ = 	snop  }
0x4: {  	_ = 	snop  }
0x5: {  	_ = 	snop  }
0x6: {  	_ = 	snop  }
0x7: {  	_ = 	snop  }
__scs_overlays_trampoline_lowered:
0x8: {  	[smem:$0x3FAE] =	sst s0  }
0x9: {  	[smem:$0x3FAF] =	sst s1  }
0xa: {  	[smem:$0x3FB0] =	sst s2  }
0xb: {  	[smem:$0x3FB1] =	sst s3  }
0xc: {  	[smem:$0x3FB2] =	sst s4  }
0xd: {  	[smem:$0x3FB3] =	sst s5  }
0xe: {  	[smem:$0x3FB4] =	sst s6  }
0xf: {  	[smem:$0x3FB5] =	sst s7  }
0x10: {  	[smem:$0x3FB6] =	sst s8  }
0x11: {  	[smem:$0x3FB7] =	sst s9;
	s0 =	simm.s32 @!p0 $0x0  }
0x12: {  	s1 =	sld [smem:$0x3F9D];
	s0 =	simm.s32 @p0 $0x1  }
0x13: {  	[smem:$0x3FB8] =	sst s0;
	s0 =	simm.s32 @!p1 $0x0  }
0x14: {  	s2 =	sld [smem:$0x3F9C];
	s0 =	simm.s32 @p1 $0x1  }
0x15: {  	[smem:$0x3FB9] =	sst s0;
	s0 =	simm.s32 @!p2 $0x0  }
0x16: {  	s3 =	sld [smem:$0x3FDB];
	s0 =	simm.s32 @p2 $0x1  }
0x17: {  	s4 =	simm.s32 $0x1BF5;
	[smem:$0x3FBB] =	sst s0  }
0x18: {  	s0 =	sld [smem:$0x3F9E];
	_ =	swait.ge [sflag:s4], $0x0  }
0x19: {  	s7 =	sld [smem:$0x3F9F]  }
0x1a: {  	s8 =	sadd.s32 $0xFFFFE003, lr  }
0x1b: {  	s9 =	sadd.s32 $0xFFFFFEF7, lr;
	s5 =	simm.s32 $0xFFFFFFFF;
	p2 =	slt.u32 s8, $0xFFFFF086  }
0x1c: {  	p1 =	slt.u32 s9, $0xF7A;
	s5 =	simm.s32 @!p2 $0x0  }
0x1d: {  	s5 =	simm.s32 @p1 $0x1;
	p0 =	seq.s32 s7, s2  }
0x1e: {  	s7 =	smul.u32 @!p0 $0xF7A, s2;
	p2 =	seq.s32 @!p0 s5, $0x0  }
0x1f: {  	s9 =	smul.u32 $0xF7A, s1;
	s8 =	simm.s32 @!p0 $0x1BF5;
	p2 =	por !p2, p0  }
0x20: {  	[sflag:s8] =	ssyncset.s32 @!p0 $0xFFFFF086;
	s6 =	sadd.s32 @!p0 s3, s7;
	s7 =	simm.s32 @!p0 $0x108  }
0x21: {  	s3 =	sadd.s32 s3, s9;
	s6 =	sadd.s32 @!p0 $0x88, s6;
	s7 =	simm.s32 @p2 $0x1082  }
0x22: {  	[simem:s7], [sflag:s8] =	dma.local @!p0 [hbm:s6], $0xF7A  }
0x23: {  	s9 =	sor.u32 $0xD0000000, s2;
	s6 =	simm.s32 $0x108;
	_ =	swait.ge @!p0 [sflag:s8], $0x0  }
0x24: {  	s3 =	sadd.s32 $0x88, s3;
	s6 =	simm.s32 @!p1 $0x1082;
	[sflag:s4] =	ssyncset.s32 $0xFFFFF086  }
0x25: {  	[simem:s6], [sflag:s4] =	dma.local [hbm:s3], $0xF7A  }
0x26: {  	[smem:$0x3F9F] =	sst s1;
	(tag) =	ssettag s2;
	_ =	strace s9  }
0x27: {  	s1 =	sld [smem:$0x3FAF]  }
0x28: {  	s2 =	sld [smem:$0x3FB0]  }
0x29: {  	s4 =	sld [smem:$0x3FB2]  }
0x2a: {  	p0 =	seq.s32 s5, $0x0;
	s5 =	sld [smem:$0x3FB3]  }
0x2b: {  	s6 =	sld [smem:$0x3FB4]  }
0x2c: {  	s7 =	sld [smem:$0x3FB5]  }
0x2d: {  	s3 =	simm.s32 $0x108;
	s8 =	sld [smem:$0x3FB6]  }
0x2e: {  	s3 =	simm.s32 @!p0 $0x1082;
	s9 =	sld [smem:$0x3FB7]  }
0x2f: {  	lr =	sadd.s32 s0, s3;
	s0 =	sld [smem:$0x3FAE]  }
0x30: {  	s3 =	sld [smem:$0x3FB1]  }
0x31: {  	[smem:$0x3FBA] =	sst s10  }
0x32: {  	s10 =	sld [smem:$0x3FB8];
	_ =	sdelay $0x3  }
0x33: {  	p0 =	seq.s32 s10, $0x1;
	s10 =	sld [smem:$0x3FBA];
	_ =	sdelay $0x3  }
0x34: {  	[smem:$0x3FBA] =	sst s10  }
0x35: {  	s10 =	sld [smem:$0x3FB9];
	_ =	sdelay $0x3  }
0x36: {  	p1 =	seq.s32 s10, $0x1;
	s10 =	sld [smem:$0x3FBA];
	_ =	sdelay $0x3  }
0x37: {  	[smem:$0x3FBA] =	sst s10  }
0x38: {  	s10 =	sld [smem:$0x3FBB]  }
0x39: {  	_ = 	snop;
	(pc) =	sbr.ind lr, $3  }
0x3a: {  	_ = 	snop  }
0x3b: {  	_ = 	snop  }
0x3c: {  	p2 =	seq.s32 s10, $0x1;
	s10 =	sld [smem:$0x3FBA]  }
0x3d: {  	_ =	shalt  }
0x3e: {  	_ =	shalt  }
0x3f: {  	_ =	shalt  }
0x40: {  	_ =	shalt  }
0x41: {  	_ =	shalt  }
0x42: {  	_ =	shalt  }
0x43: {  	_ =	shalt  }
0x44: {  	_ =	shalt  }
0x45: {  	_ =	shalt  }
0x46: {  	_ =	shalt  }
0x47: {  	_ =	shalt  }
0x48: {  	_ =	shalt  }
0x49: {  	_ =	shalt  }
0x4a: {  	_ =	shalt  }
0x4b: {  	_ =	shalt  }
0x4c: {  	_ =	shalt  }
0x4d: {  	_ =	shalt  }
0x4e: {  	_ =	shalt  }
0x4f: {  	_ =	shalt  }
0x50: {  	_ =	shalt  }
0x51: {  	_ =	shalt  }
0x52: {  	_ =	shalt  }
0x53: {  	_ =	shalt  }
0x54: {  	_ =	shalt  }
0x55: {  	_ =	shalt  }
0x56: {  	_ =	shalt  }
0x57: {  	_ =	shalt  }
0x58: {  	_ =	shalt  }
0x59: {  	_ =	shalt  }
0x5a: {  	_ =	shalt  }
0x5b: {  	_ =	shalt  }
0x5c: {  	_ =	shalt  }
0x5d: {  	_ =	shalt  }
0x5e: {  	_ =	shalt  }
0x5f: {  	_ =	shalt  }
0x60: {  	_ =	shalt  }
0x61: {  	_ =	shalt  }
0x62: {  	_ =	shalt  }
0x63: {  	_ =	shalt  }
0x64: {  	_ =	shalt  }
0x65: {  	_ =	shalt  }
0x66: {  	_ =	shalt  }
0x67: {  	_ =	shalt  }
0x68: {  	_ =	shalt  }
0x69: {  	_ =	shalt  }
0x6a: {  	_ =	shalt  }
0x6b: {  	_ =	shalt  }
0x6c: {  	_ =	shalt  }
0x6d: {  	_ =	shalt  }
0x6e: {  	_ =	shalt  }
0x6f: {  	_ =	shalt  }
0x70: {  	_ =	shalt  }
0x71: {  	_ =	shalt  }
0x72: {  	_ =	shalt  }
0x73: {  	_ =	shalt  }
0x74: {  	_ =	shalt  }
0x75: {  	_ =	shalt  }
0x76: {  	_ =	shalt  }
0x77: {  	_ =	shalt  }
0x78: {  	_ =	shalt  }
0x79: {  	_ =	shalt  }
0x7a: {  	_ =	shalt  }
0x7b: {  	_ =	shalt  }
0x7c: {  	_ =	shalt  }
0x7d: {  	_ =	shalt  }
0x7e: {  	_ =	shalt  }
0x7f: {  	_ =	shalt  }
0x80: {  	_ =	shalt  }
0x81: {  	_ =	shalt  }
0x82: {  	_ =	shalt  }
0x83: {  	_ =	shalt  }
0x84: {  	_ =	shalt  }
0x85: {  	_ =	shalt  }
0x86: {  	_ =	shalt  }
0x87: {  	_ =	shalt  }
.Lfunc_end0:
.L_simem_size_0:
called_computation_lowered:
.L_overlay_start_0:
0x88: {  	s2 =	sld [smem:$0x3FD9]  }
0x89: {  	s3 =	sld [smem:$0x3FFE];
	_ =	sdelay $0x1  }
0x8a: {  	s1 =	srdreg.scid  }
0x8b: {  	s0 =	sand.u32 $0x1, s1  }
0x8c: {  	s17 =	sshll.u32 s0, $0xA;
	s2 =	sadd.s32 s3, s2  }
0x8d: {  	s2 =	sadd.s32 s2, s17  }
0x8e: {  	[smem:$0x3FC6] =	sst s2  }
0x8f: {  	_ = 	snop  }
0x90: {  	s2 =	sld [smem:$0x3FC9]  }
0x91: {  	s18 =	sld [smem:$0x3FD0];
	(tm) =	ssettm $0x1  }
0x92: {  	s4 =	sld [smem:$0x3FFB];
	_ =	sdelay $0x3  }
0x93: {  	_ =	strace s4  }
0x94: {  	s4 =	sld [smem:$0x3FFC];
	_ =	sdelay $0x3  }
0x95: {  	_ =	strace s4  }
0x96: {  	s4 =	sld [smem:$0x3FFD];
	_ =	sdelay $0x3  }
0x97: {  	_ =	strace s4  }
0x98: {  	_ =	strace $0x8FFFFFFF  }
0x99: {  	s19 =	sld [smem:$0x3FDB];
	_ =	sdelay $0x1  }
0x9a: {  	s5 =	simm.s32 $_scs_section_size  }
0x9b: {  	s6 =	simm.s32 $_size__tile_overlayer_lowered;
	s7 =	simm.s32 $_tile_overlayer_lowered  }
0x9c: {  	s22 =	simm.s32 $0x1BFF;
	s21 =	sshll.u32 s7, $0x1;
	s4 =	sadd.s32 s5, s19  }
0x9d: {  	s8 =	simm.s32 $0x0;
	s20 =	sshll.u32 s6, $0x1;
	s6 =	sadd.s32 s21, s4  }
0x9e: {  	[timem:s8], [sflag:s22] =	dma.local [hbm:s6], s20  }
0x9f: {  	_ =	swait.ge [sflag:s22], s20  }
0xa0: {  	s5 =	ssub.s32 $0x0, s20;
	[sflag:s22] =	ssyncset.done $0x0  }
0xa1: {  	[sflag:s22] =	ssyncadd.s32 s5;
	_ =	sdelay $0x1  }
0xa2: {  	s23 =	simm.s32 $0x1B8B  }
0xa3: {  	_ =	swait.ge [sflag:s23], $0x1  }
0xa4: {  	[sflag:s23] =	ssyncset.done $0x0  }
0xa5: {  	s25 =	simm.s32 $0x1B8E;
	s24 =	sld [smem:$0x3FFE];
	[sflag:s23] =	ssyncadd.s32 $0xFFFFFFFF  }
0xa6: {  	s26 =	simm.s32 $execute0_lowered;
	[smem:$0x3FD2] =	sst s25  }
0xa7: {  	s6 =	sshll.u32 s26, $0x1;
	_ =	strace $0x80000046;
	[dreg:$0x1] =	wrdreg $0xFFFFFFFF  }
0xa8: {  	s28 =	simm.s32 $_size_execute0_lowered;
	s4 =	sadd.s32 s4, s6;
	[dreg:$0x0] =	wrdreg $0x0  }
0xa9: {  	s6 =	sshll.u32 s28, $0x1;
	[dreg:$0x2] =	wrdreg s4  }
0xaa: {  	[dreg:$0x3] =	wrdreg s6  }
0xab: {  	[dreg:$0x4] =	wrdreg $0xC0  }
0xac: {  	_ =	task [dreg:s8], $0x5FFFF  }
0xad: {  	[dreg:$0x1] =	wrdreg $0xFFFFFFFF  }
0xae: {  	[dreg:$0x0] =	wrdreg $0x60  }
0xaf: {  	[dreg:$0x2] =	wrdreg s2  }
0xb0: {  	[dreg:$0x3] =	wrdreg s24  }
0xb1: {  	[dreg:$0x4] =	wrdreg s18  }
0xb2: {  	[dreg:$0x5] =	wrdreg $0x9  }
0xb3: {  	_ =	task.clear_ibuf [dreg:s8], $0x6FFFF;
	_ =	strace $0x90000046  }
0xb4: {  	s29 =	simm.s32 $0x9;
	_ =	strace $0x80000048  }
0xb5: {  	_ =	swait.ge [sflag:s29], $0x1  }
0xb6: {  	[sflag:s29] =	ssyncadd.s32 $0xFFFFFFFF  }
0xb7: {  	_ =	strace $0x90000048  }
0xb8: {  	_ =	sfence  }
0xb9: {  	s30 =	sld [smem:$0x0];
	_ =	sdelay $0x2  }
0xba: {  	s31 =	sshll.u32 s1, $0xD;
	s1 =	sshrl.u32 s1, $0x2  }
0xbb: {  	s3 =	sand.u32 $0x4000, s31;
	s1 =	sadd.s32 s1, s30  }
0xbc: {  	s0 =	sor.u32 s3, s0;
	s1 =	sshll.u32 s1, $0x11  }
0xbd: {  	s0 =	sor.u32 s1, s0  }
0xbe: {  	s0 =	sadd.s32 $0x8F2B, s0  }
0xbf: {  	[sflag:s0] =	ssyncadd.remote.s32 $0x1  }
0xc0: {  	_ =	sfence.sel $0xFFFF  }
0xc1: {  	[dreg:$0x0] =	wrdreg $0xFFFFFFFF;
	(pc) =	sbr.abs _section_cstart, $3  }
0xc2: {  	[dreg:$0x1] =	wrdreg $0xFFFFFFFF  }
0xc3: {  	_ =	task.clear_ibuf [dreg:s8], $0x2FFFF;
	_ =	strace $0x9FFFFFFF  }
0xc4: {  	(tm) =	ssettm $0x7FFFFFFF  }
0xc5: {  	_ =	shalt  }
tec
execute0_lowered:
.L_overlay_start_1:
0x0: {  	(tag) =	ssettag $0x1  }
0x1: {  	s1 =	rddreg [dreg:$0x0]  }
0x2: {  	s0 =	rddreg [dreg:$0x1]  }
0x3: {  	s3 =	rddreg [dreg:$0x2]  }
0x4: {  	s2 =	srdreg.scid;
	s5 =	stileid.u32  }
0x5: {  	s4 =	simm.s32 $0x0;
	s13 =	simm.s32 $0x80;
	s14 =	simm.s32 $0x400  }
0x6: {  	s18 =	simm.s32 $0x1D00;
	s19 =	simm.s32 $0x1;
	s20 =	simm.s32 $0x2500  }
0x7: {  	s21 =	simm.s32 $0x2;
	s22 =	simm.s32 $0x6500;
	s2 =	sand.u32 $0x1, s2  }
0x8: {  	s5 =	sshll.u32 s5, $0x7;
	[smem:$0x7FF] =	sst s4;
	s6 =	sshll.u32 s2, $0x6  }
0x9: {  	s0 =	sadd.s32 $0x400, s0;
	s2 =	ssub.s32 $0x2, s2;
	s5 =	sor.u32 s6, s5  }
0xa: {  	_ =	strace $0x80000047;
	s26 =	sshrl.u32 s2, $0x1;
	s7 =	sshll.u32 s5, $0x8  }
0xb: {  	[dreg:$0x4] =	wrdreg s0;
	s28 =	ssub.s32 s2, s26;
	s29 =	sadd.s32 s1, s7  }
.Ltmp0:
0xc: {  	s0 =	smax.u32 s28, $0x1;
	[dreg:$0x5] =	wrdreg s29;
	(pc) =	sbr.rel .LBB2_1-.Ltmp0, $4  }
0xd: {  	v0 =	vlaneseq.u32;
	s23 =	simm.s32 $0x3;
	s30 =	sadd.s32 $0x10, s29;
	[dreg:$0x9] =	wrdreg s0  }
0xe: {  	s24 =	simm.s32 $0xA500;
	v1 =	vor.u32 $0x10, v0;
	s31 =	sadd.s32 $0x20, s29;
	[dreg:$0x6] =	wrdreg s30  }
0xf: {  	s25 =	simm.s32 $0x4;
	v2 =	vor.u32 $0x20, v0;
	v3 =	vor.u32 $0x30, v0;
	v4 =	vor.u32 $0x40, v0;
	s2 =	sadd.s32 $0x30, s29;
	[dreg:$0x7] =	wrdreg s31  }
0x10: {  	v5 =	vor.u32 $0x50, v0;
	v6 =	vor.u32 $0x60, v0;
	v7 =	vor.u32 $0x70, v0;
	s6 =	simm.s32 $0x0;
	s26 =	simm.s32 $0xE500;
	[dreg:$0x8] =	wrdreg s2  }
.LBB2_12:
0x11: {  	s0 =	simm.s32 $0x5  }
0x12: {  	_ =	swait.ge [sflag:s0], $0x4000  }
0x13: {  	[sflag:s0] =	ssyncset.done $0x0  }
0x14: {  	s29 =	simm.s32 $0x6;
	[sflag:s0] =	ssyncadd.s32 $0xFFFFC000  }
0x15: {  	_ =	swait.ge [sflag:s29], $0x4000  }
0x16: {  	[sflag:s29] =	ssyncset.done $0x0  }
0x17: {  	s30 =	simm.s32 $0x7;
	[sflag:s29] =	ssyncadd.s32 $0xFFFFC000  }
0x18: {  	_ =	swait.ge [sflag:s30], $0x4000  }
0x19: {  	[sflag:s30] =	ssyncset.done $0x0  }
0x1a: {  	s2 =	simm.s32 $0x8;
	[sflag:s30] =	ssyncadd.s32 $0xFFFFC000  }
0x1b: {  	_ =	swait.ge [sflag:s2], $0x4000  }
0x1c: {  	s6 =	rddreg [dreg:$0xa]  }
0x1d: {  	s31 =	rddreg [dreg:$0x9];
	s6 =	sadd.s32 $0x1, s6  }
0x1e: {  	p0 =	sne.s32 s6, s31  }
.Ltmp1:
0x1f: {  	_ = 	snop;
	(pc) =	sbr.rel @!p0 .LBB2_13-.Ltmp1, $3  }
0x20: {  	_ =	sdelay $0x1  }
0x21: {  	[sflag:s2] =	ssyncset.done $0x0  }
0x22: {  	[sflag:s2] =	ssyncadd.s32 $0xFFFFC000  }
.LBB2_1:
0x23: {  	[dreg:$0xa] =	wrdreg s6  }
0x24: {  	s0 =	rddreg [dreg:$0x4];
	s15 =	simm.s32 $0x9  }
0x25: {  	[tilespmem:s4], [sflag:$0x9] =	stream.linear.gather [hbm4b:s0+s4], $0x500, $0x38;
	[tilespmem:$0x12500] =	vst v63  }
0x26: {  	_ =	swait.ge [sflag:s15], $0x500  }
0x27: {  	[sflag:s15] =	ssyncset.done $0x0  }
0x28: {  	s2 =	simm.s32 $0x500;
	s16 =	rddreg [dreg:$0x5];
	[sflag:s15] =	ssyncadd.s32 $0xFFFFFB00  }
0x29: {  	[tilespmem:s2], [sflag:$0x1] =	stream.strided.gather [hbm4b:s16+s13], $0x800, s14, s13, $0x38;
	[tilespmem:$0x12500] =	vst v63  }
0x2a: {  	s28 =	simm.s32 $0xD00;
	s17 =	rddreg [dreg:$0x6]  }
0x2b: {  	[tilespmem:s28], [sflag:$0x2] =	stream.strided.gather [hbm4b:s17+s13], $0x800, s14, s13, $0x38;
	[tilespmem:$0x12500] =	vst v63  }
0x2c: {  	s30 =	simm.s32 $0x1500;
	s29 =	rddreg [dreg:$0x7]  }
0x2d: {  	[tilespmem:s30], [sflag:$0x3] =	stream.strided.gather [hbm4b:s29+s13], $0x800, s14, s13, $0x38;
	[tilespmem:$0x12500] =	vst v63  }
0x2e: {  	s31 =	rddreg [dreg:$0x8];
	s2 =	simm.s32 $0x0  }
0x2f: {  	[tilespmem:s18], [sflag:$0x4] =	stream.strided.gather [hbm4b:s31+s13], $0x800, s14, s13, $0x38;
	[tilespmem:$0x12500] =	vst v63  }
.LBB2_2:
0x30: {  	_ =	swait.ge [sflag:s19], $0x800  }
0x31: {  	p0 =	seq.s32 s2, $0x0;
	[sflag:s19] =	ssyncset.done $0x0  }
0x32: {  	s6 =	simm.s32 $0x0;
	s7 =	simm.s32 @!p0 $0x5;
	[sflag:s19] =	ssyncadd.s32 $0xFFFFF800  }
0x33: {  	s8 =	simm.s32 $0x0;
	s9 =	sand.u32 $0x3FFFFF80, s6;
	_ =	swait.ge @!p0 [sflag:s7], $0x4000  }
0x34: {  	s12 =	sand.u32 $0x60, s8;
	s16 =	sadd.s32 $0x500, s9;
	[sflag:s7] =	ssyncset.done @!p0 $0x0  }
0x35: {  	s28 =	sor.u32 $0x10, s12;
	s17 =	sor.u32 s12, s16;
	[sflag:s7] =	ssyncadd.s32 @!p0 $0xFFFFC000  }
0x36: {  	s8 =	sor.u32 s28, s16;
	v8 =	vld [tilespmem:s17+$0x0]  }
0x37: {  	v9 =	vld [tilespmem:s8+$0x0];
	_ =	sdelay $0x3  }
0x38: {  	s29 =	simm.s32 $0x20;
	v12 =	vshll.u32 v8, $0x7  }
0x39: {  	s7 =	sand.u32 $0x3FFFFF80, s29;
	s8 =	simm.s32 $0x20;
	v13 =	vshll.u32 v9, $0x7;
	v8 =	vor.u32 v0, v12  }
0x3a: {  	s7 =	sadd.s32 $0x500, s7;
	s16 =	sand.u32 $0x60, s8;
	v9 =	vor.u32 v1, v13  }
0x3b: {  	s10 =	sor.u32 s16, s7;
	s17 =	sor.u32 $0x10, s16;
	v10 =	vor.u32 v2, v12  }
0x3c: {  	s7 =	sor.u32 s17, s7;
	v19 =	vld [tilespmem:s10+$0x0];
	v14 =	vor.u32 v3, v12  }
0x3d: {  	v21 =	vld [tilespmem:s7+$0x0];
	v15 =	vor.u32 v4, v12  }
0x3e: {  	v17 =	vor.u32 v6, v12;
	v8 =	vld.idx.msk [tilespmem:v8+s4+$0x0], $0xffff  }
0x3f: {  	v16 =	vor.u32 v5, v12;
	v9 =	vld.idx.msk [tilespmem:v9+s4+$0x0], $0xffff  }
0x40: {  	v18 =	vor.u32 v4, v13;
	v11 =	vld.idx.msk [tilespmem:v10+s4+$0x0], $0xffff  }
0x41: {  	v20 =	vor.u32 v6, v13;
	v10 =	vld.idx.msk [tilespmem:v14+s4+$0x0], $0xffff  }
0x42: {  	v26 =	vor.u32 v0, v13;
	v14 =	vld.idx.msk [tilespmem:v15+s4+$0x0], $0xffff  }
0x43: {  	v15 =	vld.idx.msk [tilespmem:v17+s4+$0x0], $0xffff;
	v17 =	vor.u32 v5, v13  }
0x44: {  	v28 =	vor.u32 v7, v12;
	v31 =	vld.idx.msk [tilespmem:v16+s4+$0x0], $0xffff  }
0x45: {  	v16 =	vor.u32 v7, v13;
	v27 =	vld.idx.msk [tilespmem:v18+s4+$0x0], $0xffff  }
0x46: {  	v22 =	vor.u32 v2, v13;
	v24 =	vld.idx.msk [tilespmem:v20+s4+$0x0], $0xffff  }
0x47: {  	v23 =	vor.u32 v3, v13;
	v18 =	vshll.u32 v21, $0x7;
	v21 =	vld.idx.msk [tilespmem:v26+s4+$0x0], $0xffff  }
0x48: {  	s30 =	simm.s32 $0x0;
	v30 =	vor.u32 v1, v12;
	v13 =	vshll.u32 v19, $0x7;
	v29 =	vld.idx.msk [tilespmem:v17+s4+$0x0], $0xffff  }
0x49: {  	s7 =	sand.u32 $0x3FFFFC00, s30;
	v19 =	vld.idx.msk [tilespmem:v28+s4+$0x0], $0xffff;
	v32 =	vor.u32 v0, v13  }
0x4a: {  	s7 =	sadd.s32 $0x2500, s7;
	v26 =	vor.u32 v1, v18;
	v25 =	vld.idx.msk [tilespmem:v16+s4+$0x0], $0xffff  }
0x4b: {  	s10 =	sor.u32 s28, s7;
	v28 =	vor.u32 v2, v13;
	v17 =	vld.idx.msk [tilespmem:v22+s4+$0x0], $0xffff  }
0x4c: {  	v16 =	vld.idx.msk [tilespmem:v23+s4+$0x0], $0xffff;
	[tilespmem:s10+$0x200] =	vst v27;
	v27 =	vor.u32 v3, v13  }
0x4d: {  	s15 =	sshll.u32 s2, $0x2;
	s31 =	simm.s32 $0x100;
	s11 =	sor.u32 s12, s7;
	v20 =	vld.idx.msk [tilespmem:v30+s4+$0x0], $0xffff;
	v12 =	vor.u32 v1, v13;
	[tilespmem:s10+$0x280] =	vst v29;
	v29 =	vor.u32 v4, v13  }
0x4e: {  	s6 =	sadd.s32 s5, s15;
	s9 =	sand.u32 $0x3FFFFC00, s31;
	s7 =	simm.s32 $0x2;
	v30 =	vor.u32 v5, v13;
	v22 =	vor.u32 v6, v13;
	[tilespmem:s11+$0x280] =	vst v31;
	v23 =	vld.idx.msk [tilespmem:v32+s4+$0x0], $0xffff  }
.LBB2_3:
0x4f: {  	s7 =	sadd.s32 $0x2, s7;
	v26 =	vld.idx.msk [tilespmem:v26+s4+$0x0], $0xffff;
	[tilespmem:s10+$0x380] =	vst v25  }
0x50: {  	s12 =	sshll.u32 s7, $0x4;
	s28 =	sshll.u32 s7, $0x7;
	p1 =	slt.u32 s7, $0x7E;
	v25 =	vld.idx.msk [tilespmem:v28+s4+$0x0], $0xffff;
	[tilespmem:s11+$0x200] =	vst v14  }
0x51: {  	s8 =	sadd.s32 $0x20, s8;
	s29 =	sand.u32 $0x3FFFFF80, s12;
	s28 =	sand.u32 $0x3FFFFC00, s28;
	v27 =	vld.idx.msk [tilespmem:v27+s4+$0x0], $0xffff;
	[tilespmem:s10+$0x300] =	vst v24  }
0x52: {  	s12 =	sand.u32 $0x60, s8;
	v24 =	vor.u32 v4, v18;
	s29 =	sadd.s32 $0x500, s29;
	v14 =	vld.idx.msk [tilespmem:v29+s4+$0x0], $0xffff;
	[tilespmem:s11+$0x300] =	vst v15  }
0x53: {  	v28 =	vor.u32 v7, v18;
	s31 =	sor.u32 $0x10, s12;
	s30 =	sor.u32 s12, s29;
	v31 =	vld.idx.msk [tilespmem:v30+s4+$0x0], $0xffff;
	[tilespmem:s11+$0x100] =	vst v11  }
0x54: {  	s29 =	sor.u32 s31, s29;
	v15 =	vld.idx.msk [tilespmem:v22+s4+$0x0], $0xffff;
	v22 =	vor.u32 v5, v18;
	[tilespmem:s11+$0x180] =	vst v10  }
0x55: {  	v30 =	vor.u32 v6, v18;
	v29 =	vld [tilespmem:s30+$0x0];
	[tilespmem:s11+$0x0] =	vst v8;
	v8 =	vmov v23  }
0x56: {  	v32 =	vor.u32 v2, v18;
	v11 =	vmov v25;
	v23 =	vld [tilespmem:s29+$0x0];
	[tilespmem:s10+$0x80] =	vst v9;
	v9 =	vmov v26  }
0x57: {  	v33 =	vor.u32 v3, v18;
	v10 =	vmov v27;
	v34 =	vld.idx.msk [tilespmem:v24+s4+$0x0], $0xffff;
	[tilespmem:s10+$0x100] =	vst v17  }
0x58: {  	v27 =	vor.u32 v0, v18;
	v25 =	vld.idx.msk [tilespmem:v28+s4+$0x0], $0xffff;
	[tilespmem:s10+$0x0] =	vst v21  }
0x59: {  	v35 =	vor.u32 v7, v13;
	v36 =	vld.idx.msk [tilespmem:v22+s4+$0x0], $0xffff;
	[tilespmem:s10+$0x180] =	vst v16  }
0x5a: {  	v13 =	vshll.u32 v29, $0x7;
	v24 =	vld.idx.msk [tilespmem:v30+s4+$0x0], $0xffff;
	[tilespmem:s11+$0x380] =	vst v19  }
0x5b: {  	v30 =	vor.u32 v0, v13;
	v22 =	vor.u32 v6, v13;
	v18 =	vshll.u32 v23, $0x7;
	v17 =	vld.idx.msk [tilespmem:v32+s4+$0x0], $0xffff;
	[tilespmem:s11+$0x80] =	vst v20  }
.Ltmp2:
0x5c: {  	v23 =	vor.u32 v1, v13;
	s11 =	sadd.s32 $0x2500, s9;
	s9 =	smov.u32 s28;
	v26 =	vor.u32 v1, v18;
	v16 =	vld.idx.msk [tilespmem:v33+s4+$0x0], $0xffff;
	(pc) =	sbr.rel @p1 .LBB2_3-.Ltmp2, $4  }
0x5d: {  	v28 =	vor.u32 v2, v13;
	s10 =	sor.u32 s17, s11;
	s17 =	smov.u32 s31;
	v21 =	vld.idx.msk [tilespmem:v27+s4+$0x0], $0xffff  }
0x5e: {  	v27 =	vor.u32 v3, v13;
	v19 =	vld.idx.msk [tilespmem:v35+s4+$0x0], $0xffff;
	[tilespmem:s10+$0x200] =	vst v34  }
0x5f: {  	v29 =	vor.u32 v4, v13;
	s11 =	sor.u32 s16, s11;
	s16 =	smov.u32 s12;
	v20 =	vld.idx.msk [tilespmem:v12+s4+$0x0], $0xffff;
	[tilespmem:s10+$0x280] =	vst v36;
	v12 =	vmov v23  }
0x60: {  	v23 =	vld.idx.msk [tilespmem:v30+s4+$0x0], $0xffff;
	v30 =	vor.u32 v5, v13;
	[tilespmem:s11+$0x280] =	vst v31  }
0x61: {  	[tilespmem:s10+$0x380] =	vst v25  }
0x62: {  	[tilespmem:s11+$0x200] =	vst v14  }
0x63: {  	[tilespmem:s10+$0x300] =	vst v24  }
0x64: {  	[tilespmem:s11+$0x300] =	vst v15  }
0x65: {  	[tilespmem:s11+$0x100] =	vst v11  }
0x66: {  	v26 =	vld.idx.msk [tilespmem:v26+s4+$0x0], $0xffff;
	[tilespmem:s11+$0x180] =	vst v10  }
0x67: {  	v25 =	vld.idx.msk [tilespmem:v28+s4+$0x0], $0xffff;
	[tilespmem:s11+$0x0] =	vst v8  }
0x68: {  	v14 =	vor.u32 v4, v18;
	v28 =	vld.idx.msk [tilespmem:v29+s4+$0x0], $0xffff;
	[tilespmem:s10+$0x80] =	vst v9  }
0x69: {  	v29 =	vld.idx.msk [tilespmem:v30+s4+$0x0], $0xffff;
	[tilespmem:s10+$0x100] =	vst v17;
	v13 =	vor.u32 v7, v13  }
0x6a: {  	v27 =	vld.idx.msk [tilespmem:v27+s4+$0x0], $0xffff;
	v24 =	vor.u32 v7, v18;
	[tilespmem:s10+$0x180] =	vst v16  }
0x6b: {  	v15 =	vor.u32 v5, v18;
	v22 =	vld.idx.msk [tilespmem:v22+s4+$0x0], $0xffff;
	[tilespmem:s10+$0x0] =	vst v21  }
0x6c: {  	v11 =	vor.u32 v6, v18;
	s7 =	sadd.s32 $0x2500, s9;
	v12 =	vld.idx.msk [tilespmem:v12+s4+$0x0], $0xffff;
	[tilespmem:s11+$0x380] =	vst v19  }
0x6d: {  	v10 =	vor.u32 v2, v18;
	s8 =	sor.u32 s17, s7;
	s7 =	sor.u32 s16, s7;
	[tilespmem:s11+$0x80] =	vst v20;
	v14 =	vld.idx.msk [tilespmem:v14+s4+$0x0], $0xffff  }
0x6e: {  	v8 =	vor.u32 v3, v18;
	v13 =	vld.idx.msk [tilespmem:v13+s4+$0x0], $0xffff;
	[tilespmem:s7+$0x280] =	vst v29  }
0x6f: {  	v9 =	vor.u32 v0, v18;
	v18 =	vld.idx.msk [tilespmem:v24+s4+$0x0], $0xffff;
	[tilespmem:s7+$0x200] =	vst v28  }
0x70: {  	v15 =	vld.idx.msk [tilespmem:v15+s4+$0x0], $0xffff;
	[tilespmem:s7+$0x300] =	vst v22  }
0x71: {  	v11 =	vld.idx.msk [tilespmem:v11+s4+$0x0], $0xffff;
	[tilespmem:s7+$0x100] =	vst v25  }
0x72: {  	v10 =	vld.idx.msk [tilespmem:v10+s4+$0x0], $0xffff;
	[tilespmem:s7+$0x180] =	vst v27  }
0x73: {  	v8 =	vld.idx.msk [tilespmem:v8+s4+$0x0], $0xffff;
	[tilespmem:s7+$0x0] =	vst v23  }
0x74: {  	v9 =	vld.idx.msk [tilespmem:v9+s4+$0x0], $0xffff;
	[tilespmem:s8+$0x80] =	vst v26  }
0x75: {  	[tilespmem:s7+$0x80] =	vst v12  }
0x76: {  	[tilespmem:s8+$0x200] =	vst v14  }
0x77: {  	[tilespmem:s8+$0x280] =	vst v15  }
0x78: {  	[tilespmem:s8+$0x380] =	vst v18  }
0x79: {  	[tilespmem:s8+$0x300] =	vst v11  }
0x7a: {  	[tilespmem:s8+$0x100] =	vst v10  }
0x7b: {  	[tilespmem:s8+$0x0] =	vst v9  }
0x7c: {  	s6 =	sshll.u32 s6, $0xB;
	[tilespmem:s8+$0x180] =	vst v8  }
0x7d: {  	p1 =	seq.s32 s2, $0xF;
	s6 =	sadd.s32 s3, s6;
	[tilespmem:s7+$0x380] =	vst v13  }
0x7e: {  	[hbm4b:s6+s4] =	stream.linear.scatter [tilespmem:s20], [sflag:$0x5], $0x4000, $0x38;
	[tilespmem:$0x12500] =	vst v63  }
0x7f: {  	s6 =	sadd.s32 @!p1 $0x4, s15  }
0x80: {  	s7 =	sadd.s32 @!p1 s5, s6;
	s6 =	sshll.u32 @!p1 s6, $0x4  }
0x81: {  	s7 =	sshll.u32 @!p1 s7, $0x8;
	s6 =	sand.u32 @!p1 $0x40, s6  }
0x82: {  	s9 =	simm.s32 @!p1 $0x500;
	s7 =	sand.u32 @!p1 $0xFF800, s7;
	s6 =	sadd.s32 @!p1 s1, s6  }
0x83: {  	s8 =	simm.s32 @!p1 $0x400;
	s6 =	sadd.s32 @!p1 s7, s6;
	s7 =	simm.s32 @!p1 $0x80  }
0x84: {  	[tilespmem:s9], [sflag:$0x1] =	stream.strided.gather @!p1 [hbm4b:s6+s7], $0x800, s8, s7, $0x38;
	[tilespmem:$0x12500] =	vst v63  }
0x85: {  	_ =	swait.ge [sflag:s21], $0x800  }
0x86: {  	[sflag:s21] =	ssyncset.done $0x0  }
0x87: {  	s29 =	simm.s32 $0x0;
	s6 =	simm.s32 @!p0 $0x6;
	[sflag:s21] =	ssyncadd.s32 $0xFFFFF800  }
0x88: {  	s30 =	simm.s32 $0x0;
	s31 =	sand.u32 $0x3FFFFF80, s29;
	_ =	swait.ge @!p0 [sflag:s6], $0x4000  }
0x89: {  	s0 =	sand.u32 $0x60, s30;
	s11 =	sadd.s32 $0xD00, s31;
	[sflag:s6] =	ssyncset.done @!p0 $0x0  }
0x8a: {  	s16 =	sor.u32 $0x10, s0;
	s12 =	sor.u32 s0, s11;
	[sflag:s6] =	ssyncadd.s32 @!p0 $0xFFFFC000  }
0x8b: {  	s8 =	sor.u32 s16, s11;
	v8 =	vld [tilespmem:s12+$0x0]  }
0x8c: {  	v9 =	vld [tilespmem:s8+$0x0];
	_ =	sdelay $0x3  }
0x8d: {  	s17 =	simm.s32 $0x20;
	v12 =	vshll.u32 v8, $0x7  }
0x8e: {  	s9 =	simm.s32 $0x20;
	s6 =	sand.u32 $0x3FFFFF80, s17;
	v13 =	vshll.u32 v9, $0x7;
	v8 =	vor.u32 v0, v12  }
0x8f: {  	s17 =	sand.u32 $0x60, s9;
	s28 =	sadd.s32 $0xD00, s6;
	v9 =	vor.u32 v1, v13  }
0x90: {  	s6 =	sor.u32 $0x10, s17;
	s29 =	sor.u32 s17, s28;
	v10 =	vor.u32 v2, v12  }
0x91: {  	s8 =	sor.u32 s6, s28;
	v19 =	vld [tilespmem:s29+$0x0];
	v14 =	vor.u32 v3, v12  }
0x92: {  	v21 =	vld [tilespmem:s8+$0x0];
	v15 =	vor.u32 v4, v12  }
0x93: {  	v17 =	vor.u32 v6, v12;
	v8 =	vld.idx.msk [tilespmem:v8+s4+$0x0], $0xffff  }
0x94: {  	v16 =	vor.u32 v5, v12;
	v9 =	vld.idx.msk [tilespmem:v9+s4+$0x0], $0xffff  }
0x95: {  	v18 =	vor.u32 v4, v13;
	v11 =	vld.idx.msk [tilespmem:v10+s4+$0x0], $0xffff  }
0x96: {  	v20 =	vor.u32 v6, v13;
	v10 =	vld.idx.msk [tilespmem:v14+s4+$0x0], $0xffff  }
0x97: {  	v26 =	vor.u32 v0, v13;
	v14 =	vld.idx.msk [tilespmem:v15+s4+$0x0], $0xffff  }
0x98: {  	v15 =	vld.idx.msk [tilespmem:v17+s4+$0x0], $0xffff;
	v17 =	vor.u32 v5, v13  }
0x99: {  	v28 =	vor.u32 v7, v12;
	v31 =	vld.idx.msk [tilespmem:v16+s4+$0x0], $0xffff  }
0x9a: {  	v16 =	vor.u32 v7, v13;
	v27 =	vld.idx.msk [tilespmem:v18+s4+$0x0], $0xffff  }
0x9b: {  	v22 =	vor.u32 v2, v13;
	v24 =	vld.idx.msk [tilespmem:v20+s4+$0x0], $0xffff  }
0x9c: {  	v23 =	vor.u32 v3, v13;
	v18 =	vshll.u32 v21, $0x7;
	v21 =	vld.idx.msk [tilespmem:v26+s4+$0x0], $0xffff  }
0x9d: {  	s30 =	simm.s32 $0x0;
	v30 =	vor.u32 v1, v12;
	v13 =	vshll.u32 v19, $0x7;
	v29 =	vld.idx.msk [tilespmem:v17+s4+$0x0], $0xffff  }
0x9e: {  	s8 =	sand.u32 $0x3FFFFC00, s30;
	v19 =	vld.idx.msk [tilespmem:v28+s4+$0x0], $0xffff;
	v32 =	vor.u32 v0, v13  }
0x9f: {  	s8 =	sadd.s32 $0x6500, s8;
	v26 =	vor.u32 v1, v18;
	v25 =	vld.idx.msk [tilespmem:v16+s4+$0x0], $0xffff  }
0xa0: {  	s11 =	sor.u32 s16, s8;
	v28 =	vor.u32 v2, v13;
	v17 =	vld.idx.msk [tilespmem:v22+s4+$0x0], $0xffff  }
0xa1: {  	v16 =	vld.idx.msk [tilespmem:v23+s4+$0x0], $0xffff;
	[tilespmem:s11+$0x200] =	vst v27;
	v27 =	vor.u32 v3, v13  }
0xa2: {  	s31 =	simm.s32 $0x100;
	s16 =	sadd.s32 s15, s5;
	s7 =	sor.u32 s0, s8;
	v20 =	vld.idx.msk [tilespmem:v30+s4+$0x0], $0xffff;
	v12 =	vor.u32 v1, v13;
	[tilespmem:s11+$0x280] =	vst v29;
	v29 =	vor.u32 v4, v13  }
0xa3: {  	s10 =	sand.u32 $0x3FFFFC00, s31;
	s12 =	simm.s32 $0x2;
	s8 =	sadd.s32 $0x1, s16;
	v30 =	vor.u32 v5, v13;
	v22 =	vor.u32 v6, v13;
	[tilespmem:s7+$0x280] =	vst v31;
	v23 =	vld.idx.msk [tilespmem:v32+s4+$0x0], $0xffff  }
.LBB2_5:
0xa4: {  	s12 =	sadd.s32 $0x2, s12;
	v26 =	vld.idx.msk [tilespmem:v26+s4+$0x0], $0xffff;
	[tilespmem:s11+$0x380] =	vst v25  }
0xa5: {  	s28 =	sshll.u32 s12, $0x4;
	s29 =	sshll.u32 s12, $0x7;
	p2 =	slt.u32 s12, $0x7E;
	v25 =	vld.idx.msk [tilespmem:v28+s4+$0x0], $0xffff;
	[tilespmem:s7+$0x200] =	vst v14  }
0xa6: {  	s9 =	sadd.s32 $0x20, s9;
	s30 =	sand.u32 $0x3FFFFF80, s28;
	s29 =	sand.u32 $0x3FFFFC00, s29;
	v27 =	vld.idx.msk [tilespmem:v27+s4+$0x0], $0xffff;
	[tilespmem:s11+$0x300] =	vst v24  }
0xa7: {  	s28 =	sand.u32 $0x60, s9;
	v24 =	vor.u32 v4, v18;
	s30 =	sadd.s32 $0xD00, s30;
	v14 =	vld.idx.msk [tilespmem:v29+s4+$0x0], $0xffff;
	[tilespmem:s7+$0x300] =	vst v15  }
0xa8: {  	v28 =	vor.u32 v7, v18;
	s0 =	sor.u32 $0x10, s28;
	s31 =	sor.u32 s28, s30;
	v31 =	vld.idx.msk [tilespmem:v30+s4+$0x0], $0xffff;
	[tilespmem:s7+$0x100] =	vst v11  }
0xa9: {  	s30 =	sor.u32 s0, s30;
	v15 =	vld.idx.msk [tilespmem:v22+s4+$0x0], $0xffff;
	v22 =	vor.u32 v5, v18;
	[tilespmem:s7+$0x180] =	vst v10  }
0xaa: {  	v30 =	vor.u32 v6, v18;
	v29 =	vld [tilespmem:s31+$0x0];
	[tilespmem:s7+$0x0] =	vst v8;
	v8 =	vmov v23  }
0xab: {  	v32 =	vor.u32 v2, v18;
	v11 =	vmov v25;
	v23 =	vld [tilespmem:s30+$0x0];
	[tilespmem:s11+$0x80] =	vst v9;
	v9 =	vmov v26  }
0xac: {  	v33 =	vor.u32 v3, v18;
	v10 =	vmov v27;
	v34 =	vld.idx.msk [tilespmem:v24+s4+$0x0], $0xffff;
	[tilespmem:s11+$0x100] =	vst v17  }
0xad: {  	v27 =	vor.u32 v0, v18;
	v25 =	vld.idx.msk [tilespmem:v28+s4+$0x0], $0xffff;
	[tilespmem:s11+$0x0] =	vst v21  }
0xae: {  	v35 =	vor.u32 v7, v13;
	v36 =	vld.idx.msk [tilespmem:v22+s4+$0x0], $0xffff;
	[tilespmem:s11+$0x180] =	vst v16  }
0xaf: {  	v13 =	vshll.u32 v29, $0x7;
	v24 =	vld.idx.msk [tilespmem:v30+s4+$0x0], $0xffff;
	[tilespmem:s7+$0x380] =	vst v19  }
0xb0: {  	v30 =	vor.u32 v0, v13;
	v22 =	vor.u32 v6, v13;
	v18 =	vshll.u32 v23, $0x7;
	v17 =	vld.idx.msk [tilespmem:v32+s4+$0x0], $0xffff;
	[tilespmem:s7+$0x80] =	vst v20  }
.Ltmp3:
0xb1: {  	v23 =	vor.u32 v1, v13;
	s7 =	sadd.s32 $0x6500, s10;
	s10 =	smov.u32 s29;
	v26 =	vor.u32 v1, v18;
	v16 =	vld.idx.msk [tilespmem:v33+s4+$0x0], $0xffff;
	(pc) =	sbr.rel @p2 .LBB2_5-.Ltmp3, $4  }
0xb2: {  	v28 =	vor.u32 v2, v13;
	s11 =	sor.u32 s6, s7;
	s6 =	smov.u32 s0;
	v21 =	vld.idx.msk [tilespmem:v27+s4+$0x0], $0xffff  }
0xb3: {  	v27 =	vor.u32 v3, v13;
	v19 =	vld.idx.msk [tilespmem:v35+s4+$0x0], $0xffff;
	[tilespmem:s11+$0x200] =	vst v34  }
0xb4: {  	v29 =	vor.u32 v4, v13;
	s7 =	sor.u32 s17, s7;
	s17 =	smov.u32 s28;
	v20 =	vld.idx.msk [tilespmem:v12+s4+$0x0], $0xffff;
	[tilespmem:s11+$0x280] =	vst v36;
	v12 =	vmov v23  }
0xb5: {  	v23 =	vld.idx.msk [tilespmem:v30+s4+$0x0], $0xffff;
	v30 =	vor.u32 v5, v13;
	[tilespmem:s7+$0x280] =	vst v31  }
0xb6: {  	[tilespmem:s11+$0x380] =	vst v25  }
0xb7: {  	[tilespmem:s7+$0x200] =	vst v14  }
0xb8: {  	[tilespmem:s11+$0x300] =	vst v24  }
0xb9: {  	[tilespmem:s7+$0x300] =	vst v15  }
0xba: {  	[tilespmem:s7+$0x100] =	vst v11  }
0xbb: {  	v26 =	vld.idx.msk [tilespmem:v26+s4+$0x0], $0xffff;
	[tilespmem:s7+$0x180] =	vst v10  }
0xbc: {  	v25 =	vld.idx.msk [tilespmem:v28+s4+$0x0], $0xffff;
	[tilespmem:s7+$0x0] =	vst v8  }
0xbd: {  	v14 =	vor.u32 v4, v18;
	v28 =	vld.idx.msk [tilespmem:v29+s4+$0x0], $0xffff;
	[tilespmem:s11+$0x80] =	vst v9  }
0xbe: {  	v29 =	vld.idx.msk [tilespmem:v30+s4+$0x0], $0xffff;
	[tilespmem:s11+$0x100] =	vst v17;
	v13 =	vor.u32 v7, v13  }
0xbf: {  	v27 =	vld.idx.msk [tilespmem:v27+s4+$0x0], $0xffff;
	v24 =	vor.u32 v7, v18;
	[tilespmem:s11+$0x180] =	vst v16  }
0xc0: {  	v15 =	vor.u32 v5, v18;
	v22 =	vld.idx.msk [tilespmem:v22+s4+$0x0], $0xffff;
	[tilespmem:s11+$0x0] =	vst v21  }
0xc1: {  	v11 =	vor.u32 v6, v18;
	s0 =	sadd.s32 $0x6500, s10;
	v12 =	vld.idx.msk [tilespmem:v12+s4+$0x0], $0xffff;
	[tilespmem:s7+$0x380] =	vst v19  }
0xc2: {  	v10 =	vor.u32 v2, v18;
	s6 =	sor.u32 s6, s0;
	s0 =	sor.u32 s17, s0;
	[tilespmem:s7+$0x80] =	vst v20;
	v14 =	vld.idx.msk [tilespmem:v14+s4+$0x0], $0xffff  }
0xc3: {  	v8 =	vor.u32 v3, v18;
	v13 =	vld.idx.msk [tilespmem:v13+s4+$0x0], $0xffff;
	[tilespmem:s0+$0x280] =	vst v29  }
0xc4: {  	v9 =	vor.u32 v0, v18;
	v18 =	vld.idx.msk [tilespmem:v24+s4+$0x0], $0xffff;
	[tilespmem:s0+$0x200] =	vst v28  }
0xc5: {  	v15 =	vld.idx.msk [tilespmem:v15+s4+$0x0], $0xffff;
	[tilespmem:s0+$0x300] =	vst v22  }
0xc6: {  	v11 =	vld.idx.msk [tilespmem:v11+s4+$0x0], $0xffff;
	[tilespmem:s0+$0x100] =	vst v25  }
0xc7: {  	v10 =	vld.idx.msk [tilespmem:v10+s4+$0x0], $0xffff;
	[tilespmem:s0+$0x180] =	vst v27  }
0xc8: {  	v8 =	vld.idx.msk [tilespmem:v8+s4+$0x0], $0xffff;
	[tilespmem:s0+$0x0] =	vst v23  }
0xc9: {  	v9 =	vld.idx.msk [tilespmem:v9+s4+$0x0], $0xffff;
	[tilespmem:s6+$0x80] =	vst v26  }
0xca: {  	[tilespmem:s0+$0x80] =	vst v12  }
0xcb: {  	[tilespmem:s6+$0x200] =	vst v14  }
0xcc: {  	[tilespmem:s6+$0x280] =	vst v15  }
0xcd: {  	[tilespmem:s6+$0x380] =	vst v18  }
0xce: {  	[tilespmem:s6+$0x300] =	vst v11  }
0xcf: {  	[tilespmem:s6+$0x100] =	vst v10  }
0xd0: {  	[tilespmem:s6+$0x0] =	vst v9  }
0xd1: {  	s7 =	sshll.u32 s8, $0xB;
	[tilespmem:s6+$0x180] =	vst v8  }
0xd2: {  	s8 =	sadd.s32 s3, s7;
	[tilespmem:s0+$0x380] =	vst v13;
	s0 =	sadd.s32 @!p1 $0x5, s15  }
0xd3: {  	[hbm4b:s8+s4] =	stream.linear.scatter [tilespmem:s22], [sflag:$0x6], $0x4000, $0x38;
	[tilespmem:$0x12500] =	vst v63  }
0xd4: {  	s6 =	sadd.s32 @!p1 s5, s0;
	s0 =	sshll.u32 @!p1 s0, $0x4  }
0xd5: {  	s6 =	sshll.u32 @!p1 s6, $0x8;
	s0 =	sand.u32 @!p1 $0x50, s0  }
0xd6: {  	s7 =	simm.s32 @!p1 $0x400;
	s6 =	sand.u32 @!p1 $0xFF800, s6;
	s0 =	sadd.s32 @!p1 s1, s0  }
0xd7: {  	s8 =	simm.s32 @!p1 $0xD00;
	s0 =	sadd.s32 @!p1 s6, s0;
	s6 =	simm.s32 @!p1 $0x80  }
0xd8: {  	[tilespmem:s8], [sflag:$0x2] =	stream.strided.gather @!p1 [hbm4b:s0+s6], $0x800, s7, s6, $0x38;
	[tilespmem:$0x12500] =	vst v63  }
0xd9: {  	_ =	swait.ge [sflag:s23], $0x800  }
0xda: {  	[sflag:s23] =	ssyncset.done $0x0  }
0xdb: {  	s9 =	simm.s32 $0x0;
	s0 =	simm.s32 @!p0 $0x7;
	[sflag:s23] =	ssyncadd.s32 $0xFFFFF800  }
0xdc: {  	s10 =	simm.s32 $0x0;
	s6 =	sand.u32 $0x3FFFFF80, s9;
	_ =	swait.ge @!p0 [sflag:s0], $0x4000  }
0xdd: {  	s7 =	sand.u32 $0x60, s10;
	s6 =	sadd.s32 $0x1500, s6;
	[sflag:s0] =	ssyncset.done @!p0 $0x0  }
0xde: {  	s12 =	sor.u32 $0x10, s7;
	s11 =	sor.u32 s7, s6;
	[sflag:s0] =	ssyncadd.s32 @!p0 $0xFFFFC000  }
0xdf: {  	s6 =	sor.u32 s12, s6;
	v8 =	vld [tilespmem:s11+$0x0]  }
0xe0: {  	v9 =	vld [tilespmem:s6+$0x0];
	_ =	sdelay $0x3  }
0xe1: {  	s28 =	simm.s32 $0x20;
	v12 =	vshll.u32 v8, $0x7  }
0xe2: {  	s9 =	simm.s32 $0x20;
	s0 =	sand.u32 $0x3FFFFF80, s28;
	v13 =	vshll.u32 v9, $0x7;
	v8 =	vor.u32 v0, v12  }
0xe3: {  	s17 =	sand.u32 $0x60, s9;
	s0 =	sadd.s32 $0x1500, s0;
	v9 =	vor.u32 v1, v13  }
0xe4: {  	s6 =	sor.u32 $0x10, s17;
	s29 =	sor.u32 s17, s0;
	v10 =	vor.u32 v2, v12  }
0xe5: {  	s0 =	sor.u32 s6, s0;
	v19 =	vld [tilespmem:s29+$0x0];
	v14 =	vor.u32 v3, v12  }
0xe6: {  	v21 =	vld [tilespmem:s0+$0x0];
	v15 =	vor.u32 v4, v12  }
0xe7: {  	v17 =	vor.u32 v6, v12;
	v8 =	vld.idx.msk [tilespmem:v8+s4+$0x0], $0xffff  }
0xe8: {  	v16 =	vor.u32 v5, v12;
	v9 =	vld.idx.msk [tilespmem:v9+s4+$0x0], $0xffff  }
0xe9: {  	v18 =	vor.u32 v4, v13;
	v11 =	vld.idx.msk [tilespmem:v10+s4+$0x0], $0xffff  }
0xea: {  	v20 =	vor.u32 v6, v13;
	v10 =	vld.idx.msk [tilespmem:v14+s4+$0x0], $0xffff  }
0xeb: {  	v27 =	vor.u32 v0, v13;
	v14 =	vld.idx.msk [tilespmem:v15+s4+$0x0], $0xffff  }
0xec: {  	v15 =	vld.idx.msk [tilespmem:v17+s4+$0x0], $0xffff;
	v17 =	vor.u32 v5, v13  }
0xed: {  	v28 =	vor.u32 v7, v12;
	v31 =	vld.idx.msk [tilespmem:v16+s4+$0x0], $0xffff  }
0xee: {  	v16 =	vor.u32 v7, v13;
	v26 =	vld.idx.msk [tilespmem:v18+s4+$0x0], $0xffff  }
0xef: {  	v22 =	vor.u32 v2, v13;
	v24 =	vld.idx.msk [tilespmem:v20+s4+$0x0], $0xffff  }
0xf0: {  	v23 =	vor.u32 v3, v13;
	v18 =	vshll.u32 v21, $0x7;
	v21 =	vld.idx.msk [tilespmem:v27+s4+$0x0], $0xffff  }
0xf1: {  	s30 =	simm.s32 $0x0;
	v30 =	vor.u32 v1, v12;
	v13 =	vshll.u32 v19, $0x7;
	v29 =	vld.idx.msk [tilespmem:v17+s4+$0x0], $0xffff  }
0xf2: {  	s0 =	sand.u32 $0x3FFFFC00, s30;
	v19 =	vld.idx.msk [tilespmem:v28+s4+$0x0], $0xffff;
	v32 =	vor.u32 v0, v13  }
0xf3: {  	s0 =	sadd.s32 $0xA500, s0;
	v27 =	vor.u32 v1, v18;
	v25 =	vld.idx.msk [tilespmem:v16+s4+$0x0], $0xffff  }
0xf4: {  	s11 =	sor.u32 s12, s0;
	v28 =	vor.u32 v2, v13;
	v17 =	vld.idx.msk [tilespmem:v22+s4+$0x0], $0xffff  }
0xf5: {  	v16 =	vld.idx.msk [tilespmem:v23+s4+$0x0], $0xffff;
	[tilespmem:s11+$0x200] =	vst v26;
	v26 =	vor.u32 v3, v13  }
0xf6: {  	s31 =	simm.s32 $0x100;
	s7 =	sor.u32 s7, s0;
	v20 =	vld.idx.msk [tilespmem:v30+s4+$0x0], $0xffff;
	v12 =	vor.u32 v1, v13;
	[tilespmem:s11+$0x280] =	vst v29;
	v29 =	vor.u32 v4, v13  }
0xf7: {  	s8 =	sadd.s32 $0x2, s16;
	s10 =	sand.u32 $0x3FFFFC00, s31;
	s12 =	simm.s32 $0x2;
	v30 =	vor.u32 v5, v13;
	v22 =	vor.u32 v6, v13;
	[tilespmem:s7+$0x280] =	vst v31;
	v23 =	vld.idx.msk [tilespmem:v32+s4+$0x0], $0xffff  }
.LBB2_7:
0xf8: {  	s12 =	sadd.s32 $0x2, s12;
	v27 =	vld.idx.msk [tilespmem:v27+s4+$0x0], $0xffff;
	[tilespmem:s11+$0x380] =	vst v25  }
0xf9: {  	s0 =	sshll.u32 s12, $0x4;
	s28 =	sshll.u32 s12, $0x7;
	p2 =	slt.u32 s12, $0x7E;
	v25 =	vld.idx.msk [tilespmem:v28+s4+$0x0], $0xffff;
	[tilespmem:s7+$0x200] =	vst v14  }
0xfa: {  	s9 =	sadd.s32 $0x20, s9;
	s0 =	sand.u32 $0x3FFFFF80, s0;
	s29 =	sand.u32 $0x3FFFFC00, s28;
	v26 =	vld.idx.msk [tilespmem:v26+s4+$0x0], $0xffff;
	[tilespmem:s11+$0x300] =	vst v24  }
0xfb: {  	s28 =	sand.u32 $0x60, s9;
	v24 =	vor.u32 v4, v18;
	s0 =	sadd.s32 $0x1500, s0;
	v14 =	vld.idx.msk [tilespmem:v29+s4+$0x0], $0xffff;
	[tilespmem:s7+$0x300] =	vst v15  }
0xfc: {  	v28 =	vor.u32 v7, v18;
	s31 =	sor.u32 $0x10, s28;
	s30 =	sor.u32 s28, s0;
	v31 =	vld.idx.msk [tilespmem:v30+s4+$0x0], $0xffff;
	[tilespmem:s7+$0x100] =	vst v11  }
0xfd: {  	s0 =	sor.u32 s31, s0;
	v15 =	vld.idx.msk [tilespmem:v22+s4+$0x0], $0xffff;
	v22 =	vor.u32 v5, v18;
	[tilespmem:s7+$0x180] =	vst v10  }
0xfe: {  	v30 =	vor.u32 v6, v18;
	v29 =	vld [tilespmem:s30+$0x0];
	[tilespmem:s7+$0x0] =	vst v8;
	v8 =	vmov v23  }
0xff: {  	v32 =	vor.u32 v2, v18;
	v11 =	vmov v25;
	v23 =	vld [tilespmem:s0+$0x0];
	[tilespmem:s11+$0x80] =	vst v9;
	v9 =	vmov v27  }
0x100: {  	v33 =	vor.u32 v3, v18;
	v10 =	vmov v26;
	v34 =	vld.idx.msk [tilespmem:v24+s4+$0x0], $0xffff;
	[tilespmem:s11+$0x100] =	vst v17  }
0x101: {  	v26 =	vor.u32 v0, v18;
	v25 =	vld.idx.msk [tilespmem:v28+s4+$0x0], $0xffff;
	[tilespmem:s11+$0x0] =	vst v21  }
0x102: {  	v35 =	vor.u32 v7, v13;
	v36 =	vld.idx.msk [tilespmem:v22+s4+$0x0], $0xffff;
	[tilespmem:s11+$0x180] =	vst v16  }
0x103: {  	v13 =	vshll.u32 v29, $0x7;
	v24 =	vld.idx.msk [tilespmem:v30+s4+$0x0], $0xffff;
	[tilespmem:s7+$0x380] =	vst v19  }
0x104: {  	v30 =	vor.u32 v0, v13;
	v22 =	vor.u32 v6, v13;
	v18 =	vshll.u32 v23, $0x7;
	v17 =	vld.idx.msk [tilespmem:v32+s4+$0x0], $0xffff;
	[tilespmem:s7+$0x80] =	vst v20  }
.Ltmp4:
0x105: {  	s0 =	sadd.s32 $0xA500, s10;
	s10 =	smov.u32 s29;
	v23 =	vor.u32 v1, v13;
	v27 =	vor.u32 v1, v18;
	v16 =	vld.idx.msk [tilespmem:v33+s4+$0x0], $0xffff;
	(pc) =	sbr.rel @p2 .LBB2_7-.Ltmp4, $4  }
0x106: {  	s11 =	sor.u32 s6, s0;
	s6 =	smov.u32 s31;
	v28 =	vor.u32 v2, v13;
	v21 =	vld.idx.msk [tilespmem:v26+s4+$0x0], $0xffff  }
0x107: {  	v26 =	vor.u32 v3, v13;
	v19 =	vld.idx.msk [tilespmem:v35+s4+$0x0], $0xffff;
	[tilespmem:s11+$0x200] =	vst v34  }
0x108: {  	v29 =	vor.u32 v4, v13;
	s7 =	sor.u32 s17, s0;
	s17 =	smov.u32 s28;
	v20 =	vld.idx.msk [tilespmem:v12+s4+$0x0], $0xffff;
	[tilespmem:s11+$0x280] =	vst v36;
	v12 =	vmov v23  }
0x109: {  	v23 =	vld.idx.msk [tilespmem:v30+s4+$0x0], $0xffff;
	v30 =	vor.u32 v5, v13;
	[tilespmem:s7+$0x280] =	vst v31  }
0x10a: {  	[tilespmem:s11+$0x380] =	vst v25  }
0x10b: {  	[tilespmem:s7+$0x200] =	vst v14  }
0x10c: {  	[tilespmem:s11+$0x300] =	vst v24  }
0x10d: {  	[tilespmem:s7+$0x300] =	vst v15  }
0x10e: {  	[tilespmem:s7+$0x100] =	vst v11  }
0x10f: {  	v27 =	vld.idx.msk [tilespmem:v27+s4+$0x0], $0xffff;
	[tilespmem:s7+$0x180] =	vst v10  }
0x110: {  	v25 =	vld.idx.msk [tilespmem:v28+s4+$0x0], $0xffff;
	[tilespmem:s7+$0x0] =	vst v8  }
0x111: {  	v14 =	vor.u32 v4, v18;
	v28 =	vld.idx.msk [tilespmem:v29+s4+$0x0], $0xffff;
	[tilespmem:s11+$0x80] =	vst v9  }
0x112: {  	v29 =	vld.idx.msk [tilespmem:v30+s4+$0x0], $0xffff;
	[tilespmem:s11+$0x100] =	vst v17;
	v13 =	vor.u32 v7, v13  }
0x113: {  	v26 =	vld.idx.msk [tilespmem:v26+s4+$0x0], $0xffff;
	v24 =	vor.u32 v7, v18;
	[tilespmem:s11+$0x180] =	vst v16  }
0x114: {  	v15 =	vor.u32 v5, v18;
	v22 =	vld.idx.msk [tilespmem:v22+s4+$0x0], $0xffff;
	[tilespmem:s11+$0x0] =	vst v21  }
0x115: {  	v11 =	vor.u32 v6, v18;
	s0 =	sadd.s32 $0xA500, s10;
	v12 =	vld.idx.msk [tilespmem:v12+s4+$0x0], $0xffff;
	[tilespmem:s7+$0x380] =	vst v19  }
0x116: {  	v10 =	vor.u32 v2, v18;
	s6 =	sor.u32 s6, s0;
	s0 =	sor.u32 s17, s0;
	[tilespmem:s7+$0x80] =	vst v20;
	v14 =	vld.idx.msk [tilespmem:v14+s4+$0x0], $0xffff  }
0x117: {  	v8 =	vor.u32 v3, v18;
	v13 =	vld.idx.msk [tilespmem:v13+s4+$0x0], $0xffff;
	[tilespmem:s0+$0x280] =	vst v29  }
0x118: {  	v9 =	vor.u32 v0, v18;
	v18 =	vld.idx.msk [tilespmem:v24+s4+$0x0], $0xffff;
	[tilespmem:s0+$0x200] =	vst v28  }
0x119: {  	v15 =	vld.idx.msk [tilespmem:v15+s4+$0x0], $0xffff;
	[tilespmem:s0+$0x300] =	vst v22  }
0x11a: {  	v11 =	vld.idx.msk [tilespmem:v11+s4+$0x0], $0xffff;
	[tilespmem:s0+$0x100] =	vst v25  }
0x11b: {  	v10 =	vld.idx.msk [tilespmem:v10+s4+$0x0], $0xffff;
	[tilespmem:s0+$0x180] =	vst v26  }
0x11c: {  	v8 =	vld.idx.msk [tilespmem:v8+s4+$0x0], $0xffff;
	[tilespmem:s0+$0x0] =	vst v23  }
0x11d: {  	v9 =	vld.idx.msk [tilespmem:v9+s4+$0x0], $0xffff;
	[tilespmem:s6+$0x80] =	vst v27  }
0x11e: {  	[tilespmem:s0+$0x80] =	vst v12  }
0x11f: {  	[tilespmem:s6+$0x200] =	vst v14  }
0x120: {  	[tilespmem:s6+$0x280] =	vst v15  }
0x121: {  	[tilespmem:s6+$0x380] =	vst v18  }
0x122: {  	[tilespmem:s6+$0x300] =	vst v11  }
0x123: {  	[tilespmem:s6+$0x100] =	vst v10  }
0x124: {  	[tilespmem:s6+$0x0] =	vst v9  }
0x125: {  	s7 =	sshll.u32 s8, $0xB;
	[tilespmem:s6+$0x180] =	vst v8  }
0x126: {  	s8 =	sadd.s32 s3, s7;
	[tilespmem:s0+$0x380] =	vst v13;
	s0 =	sadd.s32 @!p1 $0x6, s15  }
0x127: {  	[hbm4b:s8+s4] =	stream.linear.scatter [tilespmem:s24], [sflag:$0x7], $0x4000, $0x38;
	[tilespmem:$0x12500] =	vst v63  }
0x128: {  	s6 =	sadd.s32 @!p1 s5, s0;
	s0 =	sshll.u32 @!p1 s0, $0x4  }
0x129: {  	s6 =	sshll.u32 @!p1 s6, $0x8;
	s0 =	sand.u32 @!p1 $0x60, s0  }
0x12a: {  	s7 =	simm.s32 @!p1 $0x400;
	s6 =	sand.u32 @!p1 $0xFF800, s6;
	s0 =	sadd.s32 @!p1 s1, s0  }
0x12b: {  	s8 =	simm.s32 @!p1 $0x1500;
	s0 =	sadd.s32 @!p1 s6, s0;
	s6 =	simm.s32 @!p1 $0x80  }
0x12c: {  	[tilespmem:s8], [sflag:$0x3] =	stream.strided.gather @!p1 [hbm4b:s0+s6], $0x800, s7, s6, $0x38;
	[tilespmem:$0x12500] =	vst v63  }
0x12d: {  	_ =	swait.ge [sflag:s25], $0x800  }
0x12e: {  	[sflag:s25] =	ssyncset.done $0x0  }
0x12f: {  	s9 =	simm.s32 $0x0;
	s0 =	simm.s32 @!p0 $0x8;
	[sflag:s25] =	ssyncadd.s32 $0xFFFFF800  }
0x130: {  	s10 =	simm.s32 $0x0;
	s6 =	sand.u32 $0x3FFFFF80, s9;
	_ =	swait.ge @!p0 [sflag:s0], $0x4000  }
0x131: {  	s7 =	sand.u32 $0x60, s10;
	s6 =	sadd.s32 $0x1D00, s6;
	[sflag:s0] =	ssyncset.done @!p0 $0x0  }
0x132: {  	s12 =	sor.u32 $0x10, s7;
	s11 =	sor.u32 s7, s6;
	[sflag:s0] =	ssyncadd.s32 @!p0 $0xFFFFC000  }
0x133: {  	s6 =	sor.u32 s12, s6;
	v8 =	vld [tilespmem:s11+$0x0]  }
0x134: {  	v9 =	vld [tilespmem:s6+$0x0];
	_ =	sdelay $0x3  }
0x135: {  	s28 =	simm.s32 $0x20;
	v12 =	vshll.u32 v8, $0x7  }
0x136: {  	s9 =	simm.s32 $0x20;
	s0 =	sand.u32 $0x3FFFFF80, s28;
	v13 =	vshll.u32 v9, $0x7;
	v8 =	vor.u32 v0, v12  }
0x137: {  	s17 =	sand.u32 $0x60, s9;
	s0 =	sadd.s32 $0x1D00, s0;
	v9 =	vor.u32 v1, v13  }
0x138: {  	s6 =	sor.u32 $0x10, s17;
	s29 =	sor.u32 s17, s0;
	v10 =	vor.u32 v2, v12  }
0x139: {  	s0 =	sor.u32 s6, s0;
	v19 =	vld [tilespmem:s29+$0x0];
	v14 =	vor.u32 v3, v12  }
0x13a: {  	v21 =	vld [tilespmem:s0+$0x0];
	v15 =	vor.u32 v4, v12  }
0x13b: {  	v17 =	vor.u32 v6, v12;
	v8 =	vld.idx.msk [tilespmem:v8+s4+$0x0], $0xffff  }
0x13c: {  	v16 =	vor.u32 v5, v12;
	v9 =	vld.idx.msk [tilespmem:v9+s4+$0x0], $0xffff  }
0x13d: {  	v18 =	vor.u32 v4, v13;
	v11 =	vld.idx.msk [tilespmem:v10+s4+$0x0], $0xffff  }
0x13e: {  	v20 =	vor.u32 v6, v13;
	v10 =	vld.idx.msk [tilespmem:v14+s4+$0x0], $0xffff  }
0x13f: {  	v27 =	vor.u32 v0, v13;
	v14 =	vld.idx.msk [tilespmem:v15+s4+$0x0], $0xffff  }
0x140: {  	v15 =	vld.idx.msk [tilespmem:v17+s4+$0x0], $0xffff;
	v17 =	vor.u32 v5, v13  }
0x141: {  	v28 =	vor.u32 v7, v12;
	v31 =	vld.idx.msk [tilespmem:v16+s4+$0x0], $0xffff  }
0x142: {  	v16 =	vor.u32 v7, v13;
	v26 =	vld.idx.msk [tilespmem:v18+s4+$0x0], $0xffff  }
0x143: {  	v22 =	vor.u32 v2, v13;
	v24 =	vld.idx.msk [tilespmem:v20+s4+$0x0], $0xffff  }
0x144: {  	v23 =	vor.u32 v3, v13;
	v18 =	vshll.u32 v21, $0x7;
	v21 =	vld.idx.msk [tilespmem:v27+s4+$0x0], $0xffff  }
0x145: {  	s30 =	simm.s32 $0x0;
	v30 =	vor.u32 v1, v12;
	v13 =	vshll.u32 v19, $0x7;
	v29 =	vld.idx.msk [tilespmem:v17+s4+$0x0], $0xffff  }
0x146: {  	s0 =	sand.u32 $0x3FFFFC00, s30;
	v19 =	vld.idx.msk [tilespmem:v28+s4+$0x0], $0xffff;
	v32 =	vor.u32 v0, v13  }
0x147: {  	s0 =	sadd.s32 $0xE500, s0;
	v27 =	vor.u32 v1, v18;
	v25 =	vld.idx.msk [tilespmem:v16+s4+$0x0], $0xffff  }
0x148: {  	s11 =	sor.u32 s12, s0;
	v28 =	vor.u32 v2, v13;
	v17 =	vld.idx.msk [tilespmem:v22+s4+$0x0], $0xffff  }
0x149: {  	v16 =	vld.idx.msk [tilespmem:v23+s4+$0x0], $0xffff;
	[tilespmem:s11+$0x200] =	vst v26;
	v26 =	vor.u32 v3, v13  }
0x14a: {  	s31 =	simm.s32 $0x100;
	s7 =	sor.u32 s7, s0;
	v20 =	vld.idx.msk [tilespmem:v30+s4+$0x0], $0xffff;
	v12 =	vor.u32 v1, v13;
	[tilespmem:s11+$0x280] =	vst v29;
	v29 =	vor.u32 v4, v13  }
0x14b: {  	s8 =	sadd.s32 $0x3, s16;
	s10 =	sand.u32 $0x3FFFFC00, s31;
	s12 =	simm.s32 $0x2;
	v30 =	vor.u32 v5, v13;
	v22 =	vor.u32 v6, v13;
	[tilespmem:s7+$0x280] =	vst v31;
	v23 =	vld.idx.msk [tilespmem:v32+s4+$0x0], $0xffff  }
.LBB2_9:
0x14c: {  	s12 =	sadd.s32 $0x2, s12;
	v27 =	vld.idx.msk [tilespmem:v27+s4+$0x0], $0xffff;
	[tilespmem:s11+$0x380] =	vst v25  }
0x14d: {  	s0 =	sshll.u32 s12, $0x4;
	s16 =	sshll.u32 s12, $0x7;
	p0 =	slt.u32 s12, $0x7E;
	v25 =	vld.idx.msk [tilespmem:v28+s4+$0x0], $0xffff;
	[tilespmem:s7+$0x200] =	vst v14  }
0x14e: {  	s9 =	sadd.s32 $0x20, s9;
	s0 =	sand.u32 $0x3FFFFF80, s0;
	s28 =	sand.u32 $0x3FFFFC00, s16;
	v26 =	vld.idx.msk [tilespmem:v26+s4+$0x0], $0xffff;
	[tilespmem:s11+$0x300] =	vst v24  }
0x14f: {  	s16 =	sand.u32 $0x60, s9;
	v24 =	vor.u32 v4, v18;
	s0 =	sadd.s32 $0x1D00, s0;
	v14 =	vld.idx.msk [tilespmem:v29+s4+$0x0], $0xffff;
	[tilespmem:s7+$0x300] =	vst v15  }
0x150: {  	v28 =	vor.u32 v7, v18;
	s30 =	sor.u32 $0x10, s16;
	s29 =	sor.u32 s16, s0;
	v31 =	vld.idx.msk [tilespmem:v30+s4+$0x0], $0xffff;
	[tilespmem:s7+$0x100] =	vst v11  }
0x151: {  	s0 =	sor.u32 s30, s0;
	v15 =	vld.idx.msk [tilespmem:v22+s4+$0x0], $0xffff;
	v22 =	vor.u32 v5, v18;
	[tilespmem:s7+$0x180] =	vst v10  }
0x152: {  	v30 =	vor.u32 v6, v18;
	v29 =	vld [tilespmem:s29+$0x0];
	[tilespmem:s7+$0x0] =	vst v8;
	v8 =	vmov v23  }
0x153: {  	v32 =	vor.u32 v2, v18;
	v11 =	vmov v25;
	v23 =	vld [tilespmem:s0+$0x0];
	[tilespmem:s11+$0x80] =	vst v9;
	v9 =	vmov v27  }
0x154: {  	v33 =	vor.u32 v3, v18;
	v10 =	vmov v26;
	v34 =	vld.idx.msk [tilespmem:v24+s4+$0x0], $0xffff;
	[tilespmem:s11+$0x100] =	vst v17  }
0x155: {  	v26 =	vor.u32 v0, v18;
	v25 =	vld.idx.msk [tilespmem:v28+s4+$0x0], $0xffff;
	[tilespmem:s11+$0x0] =	vst v21  }
0x156: {  	v35 =	vor.u32 v7, v13;
	v36 =	vld.idx.msk [tilespmem:v22+s4+$0x0], $0xffff;
	[tilespmem:s11+$0x180] =	vst v16  }
0x157: {  	v13 =	vshll.u32 v29, $0x7;
	v24 =	vld.idx.msk [tilespmem:v30+s4+$0x0], $0xffff;
	[tilespmem:s7+$0x380] =	vst v19  }
0x158: {  	v30 =	vor.u32 v0, v13;
	v22 =	vor.u32 v6, v13;
	v18 =	vshll.u32 v23, $0x7;
	v17 =	vld.idx.msk [tilespmem:v32+s4+$0x0], $0xffff;
	[tilespmem:s7+$0x80] =	vst v20  }
.Ltmp5:
0x159: {  	s0 =	sadd.s32 $0xE500, s10;
	s10 =	smov.u32 s28;
	v23 =	vor.u32 v1, v13;
	v27 =	vor.u32 v1, v18;
	v16 =	vld.idx.msk [tilespmem:v33+s4+$0x0], $0xffff;
	(pc) =	sbr.rel @p0 .LBB2_9-.Ltmp5, $4  }
0x15a: {  	s11 =	sor.u32 s6, s0;
	s6 =	smov.u32 s30;
	v28 =	vor.u32 v2, v13;
	v21 =	vld.idx.msk [tilespmem:v26+s4+$0x0], $0xffff  }
0x15b: {  	v26 =	vor.u32 v3, v13;
	v19 =	vld.idx.msk [tilespmem:v35+s4+$0x0], $0xffff;
	[tilespmem:s11+$0x200] =	vst v34  }
0x15c: {  	v29 =	vor.u32 v4, v13;
	s7 =	sor.u32 s17, s0;
	s17 =	smov.u32 s16;
	v20 =	vld.idx.msk [tilespmem:v12+s4+$0x0], $0xffff;
	[tilespmem:s11+$0x280] =	vst v36;
	v12 =	vmov v23  }
0x15d: {  	v23 =	vld.idx.msk [tilespmem:v30+s4+$0x0], $0xffff;
	v30 =	vor.u32 v5, v13;
	[tilespmem:s7+$0x280] =	vst v31  }
0x15e: {  	[tilespmem:s11+$0x380] =	vst v25  }
0x15f: {  	[tilespmem:s7+$0x200] =	vst v14  }
0x160: {  	[tilespmem:s11+$0x300] =	vst v24  }
0x161: {  	[tilespmem:s7+$0x300] =	vst v15  }
0x162: {  	[tilespmem:s7+$0x100] =	vst v11  }
0x163: {  	v27 =	vld.idx.msk [tilespmem:v27+s4+$0x0], $0xffff;
	[tilespmem:s7+$0x180] =	vst v10  }
0x164: {  	v54 =	vld.idx.msk [tilespmem:v28+s4+$0x0], $0xffff;
	[tilespmem:s7+$0x0] =	vst v8  }
0x165: {  	v55 =	vor.u32 v4, v18;
	v26 =	vld.idx.msk [tilespmem:v26+s4+$0x0], $0xffff;
	[tilespmem:s11+$0x80] =	vst v9  }
0x166: {  	v59 =	vld.idx.msk [tilespmem:v30+s4+$0x0], $0xffff;
	[tilespmem:s11+$0x100] =	vst v17;
	v13 =	vor.u32 v7, v13  }
0x167: {  	v56 =	vor.u32 v7, v18;
	v57 =	vld.idx.msk [tilespmem:v29+s4+$0x0], $0xffff;
	[tilespmem:s11+$0x180] =	vst v16  }
0x168: {  	v58 =	vor.u32 v5, v18;
	v22 =	vld.idx.msk [tilespmem:v22+s4+$0x0], $0xffff;
	[tilespmem:s11+$0x0] =	vst v21  }
0x169: {  	v60 =	vor.u32 v6, v18;
	s0 =	sadd.s32 $0xE500, s10;
	v12 =	vld.idx.msk [tilespmem:v12+s4+$0x0], $0xffff;
	[tilespmem:s7+$0x380] =	vst v19  }
0x16a: {  	v61 =	vor.u32 v2, v18;
	s6 =	sor.u32 s6, s0;
	s0 =	sor.u32 s17, s0;
	[tilespmem:s7+$0x80] =	vst v20;
	v14 =	vld.idx.msk [tilespmem:v55+s4+$0x0], $0xffff  }
0x16b: {  	v8 =	vor.u32 v3, v18;
	v13 =	vld.idx.msk [tilespmem:v13+s4+$0x0], $0xffff;
	[tilespmem:s0+$0x280] =	vst v59  }
0x16c: {  	v62 =	vor.u32 v0, v18;
	v63 =	vld.idx.msk [tilespmem:v56+s4+$0x0], $0xffff;
	[tilespmem:s0+$0x200] =	vst v57  }
0x16d: {  	v15 =	vld.idx.msk [tilespmem:v58+s4+$0x0], $0xffff;
	[tilespmem:s0+$0x300] =	vst v22  }
0x16e: {  	v11 =	vld.idx.msk [tilespmem:v60+s4+$0x0], $0xffff;
	[tilespmem:s0+$0x100] =	vst v54  }
0x16f: {  	v10 =	vld.idx.msk [tilespmem:v61+s4+$0x0], $0xffff;
	[tilespmem:s0+$0x180] =	vst v26  }
0x170: {  	v8 =	vld.idx.msk [tilespmem:v8+s4+$0x0], $0xffff;
	[tilespmem:s0+$0x0] =	vst v23  }
0x171: {  	v9 =	vld.idx.msk [tilespmem:v62+s4+$0x0], $0xffff;
	[tilespmem:s6+$0x80] =	vst v27  }
0x172: {  	[tilespmem:s0+$0x80] =	vst v12  }
0x173: {  	[tilespmem:s6+$0x200] =	vst v14  }
0x174: {  	[tilespmem:s6+$0x280] =	vst v15  }
0x175: {  	[tilespmem:s6+$0x380] =	vst v63  }
0x176: {  	[tilespmem:s6+$0x300] =	vst v11  }
.Ltmp6:
0x177: {  	[tilespmem:s6+$0x100] =	vst v10;
	(pc) =	sbr.rel @p1 .LBB2_12-.Ltmp6, $4  }
0x178: {  	[tilespmem:s6+$0x0] =	vst v9  }
0x179: {  	s30 =	sshll.u32 s8, $0xB;
	[tilespmem:s6+$0x180] =	vst v8  }
0x17a: {  	s31 =	sadd.s32 s3, s30;
	[tilespmem:s0+$0x380] =	vst v13  }
0x17b: {  	[hbm4b:s31+s4] =	stream.linear.scatter [tilespmem:s26], [sflag:$0x8], $0x4000, $0x38;
	[tilespmem:$0x12500] =	vst v63  }
0x17c: {  	s0 =	sadd.s32 $0x7, s15  }
.Ltmp7:
0x17d: {  	s6 =	sadd.s32 s5, s0;
	s0 =	sshll.u32 s0, $0x4;
	(pc) =	sbr.rel .LBB2_2-.Ltmp7, $4  }
0x17e: {  	s6 =	sshll.u32 s6, $0x8;
	s0 =	sand.u32 $0x70, s0  }
0x17f: {  	s6 =	sand.u32 $0xFF800, s6;
	s0 =	sadd.s32 s1, s0  }
0x180: {  	s2 =	sadd.s32 $0x1, s2;
	s0 =	sadd.s32 s6, s0  }
0x181: {  	[tilespmem:s18], [sflag:$0x4] =	stream.strided.gather [hbm4b:s0+s13], $0x800, s14, s13, $0x38;
	[tilespmem:$0x12500] =	vst v63  }
.LBB2_13:
0x182: {  	_ =	sfence.sel $0x180000  }
0x183: {  	[bflag:$0x0] =	sbarrier.arrive $0xFFFF  }
0x184: {  	_ =	strace $0x90000047  }
0x185: {  	s0 =	stileid.u32;
	[bflag:$0x2] =	sbarrier.arrive $0xFFFF  }
0x186: {  	p0 =	sne.s32 s0, $0x0;
	s0 =	rddreg [dreg:$0x3]  }
0x187: {  	s0 =	sadd.s32 @!p0 $0x100000, s0  }
0x188: {  	[sflag:s0] =	ssyncadd.tile.s32 @!p0 $0x1;
	_ =	shalt  }
.Lfunc_end2:
_tile_overlayer_lowered:
.L_overlay_start_2:
0x189: {  	(tag) =	ssettag $0x2  }
0x18a: {  	s0 =	rddreg [dreg:$0x0];
	s2 =	stileid.u32  }
0x18b: {  	s1 =	rddreg [dreg:$0x1];
	p0 =	sne.s32 s2, $0x0  }
0x18c: {  	s3 =	rddreg [dreg:$0x2];
	[bflag:$0x3] =	sbarrier.arrive $0xFFFF;
	s2 =	simm.s32 @!p0 $0x1C09  }
0x18d: {  	[timem:s3], [sflag:s2] =	dma.local @!p0 [hbm:s0], s1  }
0x18e: {  	s0 =	simm.s32 @!p0 $0x9  }
0x18f: {  	_ =	swait.ge @!p0 [sflag:s0], s1  }
0x190: {  	s1 =	ssub.s32 @!p0 $0x0, s1;
	[sflag:s0] =	ssyncset.done @!p0 $0x0  }
0x191: {  	[sflag:s0] =	ssyncadd.s32 @!p0 s1  }
0x192: {  	[bflag:$0x3] =	sbarrier.arrive $0xFFFF  }
0x193: {  	_ =	shalt  }

</sc_bundles>
